<compile_context>
chip_gen: v7x
topology: tpu7x:2x2x1
jax: 0.10.2.dev20260603
libtpu: 0.0.44.dev20260713+nightly
codegen_flags: <defaults>
</compile_context>

<pallas_src>
import functools

import jax
import jax.numpy as jnp
from jax import lax
from jax.experimental import pallas as pl
from jax.experimental.pallas import tpu as pltpu
from jax.experimental.pallas import tpu_sc as plsc

NC = 2
NS = 16
NW = NC * NS
L = 16
CHUNK = 80
NBUF = 4


def _sc_deg_kernel(n, e):
    nch = e // (NW * CHUNK)
    mesh = plsc.VectorSubcoreMesh(core_axis_name="c", subcore_axis_name="s")

    @functools.partial(
        pl.kernel,
        mesh=mesh,
        out_type=jax.ShapeDtypeStruct((NC, n), jnp.float32),
        scratch_types=[
            pltpu.VMEM((nch, CHUNK), jnp.int32),
            pltpu.VMEM((nch, CHUNK), jnp.float32),
            pltpu.VMEM_SHARED((n,), jnp.float32),
            pltpu.SemaphoreType.DMA,
        ],
        compiler_params=pltpu.CompilerParams(needs_layout_passes=False),
    )
    def deg_kernel(dst_hbm, ew_hbm, zero_hbm, out_hbm, dst_all, ew_all,
                   deg_sh, sem):
        c = lax.axis_index("c")
        s = lax.axis_index("s")
        wid = s * NC + c

        pltpu.sync_copy(dst_hbm.at[wid], dst_all)
        pltpu.sync_copy(ew_hbm.at[wid], ew_all)

        @pl.when(s == 0)
        def _():
            pltpu.sync_copy(zero_hbm, deg_sh)

        plsc.subcore_barrier()

        def fire(i, carry):
            pltpu.async_copy(ew_all.at[i], deg_sh.at[dst_all.at[i]], sem,
                             add=True)
            return carry

        lax.fori_loop(0, nch, fire, 0)

        def drain(i, carry):
            pltpu.make_async_copy(ew_all.at[i], deg_sh.at[dst_all.at[i]],
                                  sem).wait()
            return carry

        lax.fori_loop(0, nch, drain, 0)
        plsc.subcore_barrier()

        @pl.when(s == 0)
        def _():
            pltpu.sync_copy(deg_sh, out_hbm.at[c])

    return deg_kernel


def _sc_h_kernel(n, e, d):
    dh = d // NC
    nch = e // (NS * CHUNK)
    mesh = plsc.VectorSubcoreMesh(core_axis_name="c", subcore_axis_name="s")

    @functools.partial(
        pl.kernel,
        mesh=mesh,
        out_type=jax.ShapeDtypeStruct((NC, n, dh), jnp.float32),
        scratch_types=[
            pltpu.VMEM((nch, CHUNK), jnp.int32),
            pltpu.VMEM((nch, CHUNK), jnp.int32),
            pltpu.VMEM((nch, CHUNK), jnp.float32),
            pltpu.VMEM((NBUF, CHUNK, dh), jnp.float32),
            pltpu.VMEM_SHARED((n, dh), jnp.float32),
            pltpu.SemaphoreType.DMA,
            pltpu.SemaphoreType.DMA,
        ],
        compiler_params=pltpu.CompilerParams(
            needs_layout_passes=False, use_tc_tiling_on_sc=False),
    )
    def h_kernel(src_hbm, dst_hbm, ew_hbm, rows_hbm, hz_hbm, out_hbm,
                 src_all, dst_all, ew_all, rowbuf, h_sh, sem_g, sem_s):
        c = lax.axis_index("c")
        s = lax.axis_index("s")

        pltpu.sync_copy(src_hbm.at[s], src_all)
        pltpu.sync_copy(dst_hbm.at[s], dst_all)
        pltpu.sync_copy(ew_hbm.at[s], ew_all)

        @pl.when(s == 0)
        def _():
            pltpu.sync_copy(hz_hbm, h_sh)

        plsc.subcore_barrier()

        rows_c = rows_hbm.at[c]

        for b in range(NBUF - 1):
            pltpu.async_copy(rows_c.at[src_all.at[b]], rowbuf.at[b], sem_g)

        def step(i, carry):
            b = i % NBUF
            pltpu.make_async_copy(rows_c.at[src_all.at[i]], rowbuf.at[b],
                                  sem_g).wait()

            row_i = jnp.full((L,), i, jnp.int32)

            def scale(eg, cc):
                for u in range(8):
                    ei = eg * 8 + u
                    wsp = plsc.load_gather(
                        ew_all, [row_i, jnp.full((L,), ei, jnp.int32)])
                    for j in range(dh // L):
                        sl = pl.ds(j * L, L)
                        rowbuf[b, ei, sl] = rowbuf[b, ei, sl] * wsp
                return cc

            lax.fori_loop(0, CHUNK // 8, scale, 0)
            pltpu.async_copy(rowbuf.at[b], h_sh.at[dst_all.at[i]], sem_s,
                             add=True)

            @pl.when(i >= 1)
            def _():
                pb = (i - 1) % NBUF
                pltpu.make_async_copy(rowbuf.at[pb], h_sh.at[dst_all.at[i - 1]],
                                      sem_s).wait()

            @pl.when(i + NBUF - 1 < nch)
            def _():
                nb = (i + NBUF - 1) % NBUF
                pltpu.async_copy(rows_c.at[src_all.at[i + NBUF - 1]],
                                 rowbuf.at[nb], sem_g)

            return carry

        lax.fori_loop(0, nch, step, 0)
        pltpu.make_async_copy(rowbuf.at[(nch - 1) % NBUF],
                              h_sh.at[dst_all.at[nch - 1]], sem_s).wait()
        plsc.subcore_barrier()

        @pl.when(s == 0)
        def _():
            pltpu.sync_copy(h_sh, out_hbm.at[c])

    return h_kernel


def _tc_renorm(emb_ref, degt_ref, rows_ref, dis_ref):
    emb = emb_ref[...]
    d = emb.shape[1]
    ss = jnp.sum(emb * emb, axis=1, keepdims=True)
    nrm = jnp.sqrt(ss)
    scale = jnp.minimum(1.0, 1.0 / jnp.maximum(nrm, 1e-7))
    dt = degt_ref[...]
    tot = dt[:, 0:1] + dt[:, 1:2]
    dis = jnp.where(tot > 0.0, lax.rsqrt(jnp.maximum(tot, 1e-12)), 0.0)
    dis_ref[...] = dis
    rows = emb * (scale * dis)
    rows_ref[0] = rows[:, : d // 2]
    rows_ref[1] = rows[:, d // 2:]


def _tc_final(hp_ref, dis_ref, wt_ref, b_ref, out_ref):
    h = jnp.concatenate([hp_ref[0], hp_ref[1]], axis=1) * dis_ref[...]
    out_ref[...] = (
        jnp.dot(h, wt_ref[...], preferred_element_type=jnp.float32)
        + b_ref[...])


def kernel(x, emb, edge_index, edge_weight, W, b):
    n, d = emb.shape
    e = edge_weight.shape[0]
    dh = d // NC
    src = edge_index[0].astype(jnp.int32)
    dst = edge_index[1].astype(jnp.int32)
    ew = edge_weight.astype(jnp.float32)
    nch_deg = e // (NW * CHUNK)
    nch_h = e // (NS * CHUNK)
    zero_n = jnp.zeros((n,), jnp.float32)
    zero_nd = jnp.zeros((n, dh), jnp.float32)

    degp = _sc_deg_kernel(n, e)(
        dst.reshape(NW, nch_deg, CHUNK), ew.reshape(NW, nch_deg, CHUNK),
        zero_n)

    rows2, dis_col = pl.pallas_call(
        _tc_renorm,
        out_shape=[
            jax.ShapeDtypeStruct((NC, n, dh), jnp.float32),
            jax.ShapeDtypeStruct((n, 1), jnp.float32),
        ],
    )(emb, degp.T)

    hp = _sc_h_kernel(n, e, d)(
        src.reshape(NS, nch_h, CHUNK), dst.reshape(NS, nch_h, CHUNK),
        ew.reshape(NS, nch_h, CHUNK), rows2, zero_nd)

    bm = 400
    out = pl.pallas_call(
        _tc_final,
        grid=(n // bm,),
        in_specs=[
            pl.BlockSpec((2, bm, dh), lambda i: (0, i, 0)),
            pl.BlockSpec((bm, 1), lambda i: (i, 0)),
            pl.BlockSpec((d, d), lambda i: (0, 0)),
            pl.BlockSpec((1, d), lambda i: (0, 0)),
        ],
        out_specs=pl.BlockSpec((bm, d), lambda i: (i, 0)),
        out_shape=jax.ShapeDtypeStruct((n, d), jnp.float32),
    )(hp, dis_col, W.T, b.reshape(1, d))
    return out

# --- scband reference (transcript-rebuilt; emitter-appended) ---
"""Pipeline reference for scband-gene-ontology-gnn-29033978921575 (READ-ONLY COPY).

The authoritative reference and input builder live on the scoring server;
editing this copy changes nothing except your own understanding.
"""

import jax, jax.numpy as jnp
import numpy as np

N = 10000  # n_nodes == max_seq_len
E = 320000  # n_edges
D = 128    # dim

def setup_inputs(seed: int = 0) -> dict:
    key = jax.random.key(seed)
    k1, k2, k3, k4, k5 = jax.random.split(key, 5)
    # forward arg: only x.shape[1] is used by the module
    x = jax.random.randint(k1, (8, N), 0, N)
    # learned params per init_kwargs
    emb = jax.random.normal(k2, (N, D), dtype=jnp.float32)  # nn.Embedding(max_seq_len, dim, max_norm=True)
    # G_go / G_go_weight: tensor init args (GO graph), materialized here
    edge_index = jax.random.randint(k3, (2, E), 0, N)
    edge_weight = jax.random.uniform(k4, (E,), dtype=jnp.float32)
    W = jax.random.normal(k5, (D, D), dtype=jnp.float32) * (1.0 / np.sqrt(D))  # SGConv.lin weight
    b = jnp.zeros((D,), dtype=jnp.float32)
    return {"x": x, "emb": emb, "edge_index": edge_index, "edge_weight": edge_weight, "W": W, "b": b}

def reference(x, emb, edge_index, edge_weight, W, b):
    # t = arange(seq_len); t_emb = emb(t) with max_norm=True (renorm rows to L2 norm <= 1)
    t = jnp.arange(x.shape[1])
    rows = jnp.take(emb, t, axis=0)
    norms = jnp.sqrt(jnp.sum(rows * rows, axis=1, keepdims=True))
    scale = jnp.minimum(1.0, 1.0 / jnp.maximum(norms, 1e-7))
    rows = rows * scale
    # SGConv(dim, dim, K=1, add_self_loops=False): gcn_norm then one propagate, then linear
    src = edge_index[0]
    dst = edge_index[1]
    n = rows.shape[0]
    deg = jnp.zeros((n,), dtype=jnp.float32).at[dst].add(edge_weight)
    deg_inv_sqrt = jnp.where(deg > 0, jax.lax.rsqrt(jnp.maximum(deg, 1e-12)), 0.0)
    norm = deg_inv_sqrt[src] * edge_weight * deg_inv_sqrt[dst]
    # scatter-add aggregation: out[dst] += norm * rows[src]
    h = jnp.zeros_like(rows).at[dst].add(norm[:, None] * rows[src])
    out = h @ W.T + b
    # num_layers=1 -> no intermediate relu
    return out

if __name__ == "__main__":
    import jax
    _d = setup_inputs()
    print(jax.jit(kernel)(*tuple(_d.values())))

</pallas_src>

<mosaic_0001>
#map = affine_map<(d0, d1) -> (0, 0, 0)>
#map1 = affine_map<(d0, d1) -> (0, 0)>
module attributes {stable_mosaic.version = 14 : i64} {
  func.func @h_kernel(%arg0: i32, %arg1: i32, %arg2: memref<16x250x80xi32, #tpu.memory_space<hbm>>, %arg3: memref<16x250x80xi32, #tpu.memory_space<hbm>>, %arg4: memref<16x250x80xf32, #tpu.memory_space<hbm>>, %arg5: memref<2x10000x64xf32, #tpu.memory_space<hbm>>, %arg6: memref<10000x64xf32, #tpu.memory_space<hbm>>, %arg7: memref<2x10000x64xf32, #tpu.memory_space<hbm>>, %arg8: memref<250x80xi32, #tpu.memory_space<vmem>>, %arg9: memref<250x80xi32, #tpu.memory_space<vmem>>, %arg10: memref<250x80xf32, #tpu.memory_space<vmem>>, %arg11: memref<4x80x64xf32, #tpu.memory_space<vmem>>, %arg12: memref<10000x64xf32, #tpu.memory_space<vmem_shared>>, %arg13: memref<!tpu.dma_semaphore, #tpu.memory_space<semaphore_mem>>, %arg14: memref<!tpu.dma_semaphore, #tpu.memory_space<semaphore_mem>>) attributes {dimension_semantics = [#tpu.dimension_semantics<core_parallel>, #tpu.dimension_semantics<subcore_parallel>], iteration_bounds = array<i64: 2, 16>, scalar_prefetch = 0 : i64, scratch_operands = 7 : i64, tpu.core_type = #tpu.core_type<sc_vector_subcore>, window_params = [{transform_indices = #map}, {transform_indices = #map}, {transform_indices = #map}, {transform_indices = #map}, {transform_indices = #map1}, {transform_indices = #map}]} {
    "tpu.region"() ({
      %run_scoped3A = tpu.sem_alloc : memref<!tpu.dma_semaphore, #tpu.memory_space<semaphore_mem>>
      %dma_start3A_71 = arith.constant 0 : i32
      %dma_start3A_72 = arith.constant 0 : i32
      %dma_start3A_73 = tpu.memref_slice %arg2[%arg1, %dma_start3A_71, %dma_start3A_72] : memref<16x250x80xi32, #tpu.memory_space<hbm>> -> memref<1x250x80xi32, #tpu.memory_space<hbm>>
      %dma_start3A_74 = tpu.memref_squeeze %dma_start3A_73 : memref<1x250x80xi32, #tpu.memory_space<hbm>> -> memref<250x80xi32, #tpu.memory_space<hbm>>
      %dma_start3A_75 = arith.constant 0 : i32
      %dma_start3A_76 = arith.constant 0 : i32
      %dma_start3A_77 = tpu.memref_slice %arg2[%arg1, %dma_start3A_75, %dma_start3A_76] : memref<16x250x80xi32, #tpu.memory_space<hbm>> -> memref<1x250x80xi32, #tpu.memory_space<hbm>>
      %dma_start3A_78 = tpu.memref_squeeze %dma_start3A_77 : memref<1x250x80xi32, #tpu.memory_space<hbm>> -> memref<250x80xi32, #tpu.memory_space<hbm>>
      tpu.enqueue_dma source(%dma_start3A_78 : memref<250x80xi32, #tpu.memory_space<hbm>>) target(%arg8 : memref<250x80xi32, #tpu.memory_space<vmem>>) target_semaphore(%run_scoped3A : memref<!tpu.dma_semaphore, #tpu.memory_space<semaphore_mem>>)
      %dma_wait3A_79 = arith.constant 0 : i32
      %dma_wait3A_80 = arith.constant 0 : i32
      %dma_wait3A_81 = tpu.memref_slice %arg2[%arg1, %dma_wait3A_79, %dma_wait3A_80] : memref<16x250x80xi32, #tpu.memory_space<hbm>> -> memref<1x250x80xi32, #tpu.memory_space<hbm>>
      %dma_wait3A_82 = tpu.memref_squeeze %dma_wait3A_81 : memref<1x250x80xi32, #tpu.memory_space<hbm>> -> memref<250x80xi32, #tpu.memory_space<hbm>>
      %dma_wait3A_83 = arith.constant 0 : i32
      %dma_wait3A_84 = arith.constant 0 : i32
      %dma_wait3A_85 = tpu.memref_slice %arg2[%arg1, %dma_wait3A_83, %dma_wait3A_84] : memref<16x250x80xi32, #tpu.memory_space<hbm>> -> memref<1x250x80xi32, #tpu.memory_space<hbm>>
      %dma_wait3A_86 = tpu.memref_squeeze %dma_wait3A_85 : memref<1x250x80xi32, #tpu.memory_space<hbm>> -> memref<250x80xi32, #tpu.memory_space<hbm>>
      tpu.wait_dma2 semaphore(%run_scoped3A : memref<!tpu.dma_semaphore, #tpu.memory_space<semaphore_mem>>) src(%dma_wait3A_86 : memref<250x80xi32, #tpu.memory_space<hbm>>) dst(%arg8 : memref<250x80xi32, #tpu.memory_space<vmem>>)
      tpu.yield
    }) : () -> ()
    "tpu.region"() ({
      %run_scoped3A = tpu.sem_alloc : memref<!tpu.dma_semaphore, #tpu.memory_space<semaphore_mem>>
      %dma_start3A_71 = arith.constant 0 : i32
      %dma_start3A_72 = arith.constant 0 : i32
      %dma_start3A_73 = tpu.memref_slice %arg3[%arg1, %dma_start3A_71, %dma_start3A_72] : memref<16x250x80xi32, #tpu.memory_space<hbm>> -> memref<1x250x80xi32, #tpu.memory_space<hbm>>
      %dma_start3A_74 = tpu.memref_squeeze %dma_start3A_73 : memref<1x250x80xi32, #tpu.memory_space<hbm>> -> memref<250x80xi32, #tpu.memory_space<hbm>>
      %dma_start3A_75 = arith.constant 0 : i32
      %dma_start3A_76 = arith.constant 0 : i32
      %dma_start3A_77 = tpu.memref_slice %arg3[%arg1, %dma_start3A_75, %dma_start3A_76] : memref<16x250x80xi32, #tpu.memory_space<hbm>> -> memref<1x250x80xi32, #tpu.memory_space<hbm>>
      %dma_start3A_78 = tpu.memref_squeeze %dma_start3A_77 : memref<1x250x80xi32, #tpu.memory_space<hbm>> -> memref<250x80xi32, #tpu.memory_space<hbm>>
      tpu.enqueue_dma source(%dma_start3A_78 : memref<250x80xi32, #tpu.memory_space<hbm>>) target(%arg9 : memref<250x80xi32, #tpu.memory_space<vmem>>) target_semaphore(%run_scoped3A : memref<!tpu.dma_semaphore, #tpu.memory_space<semaphore_mem>>)
      %dma_wait3A_79 = arith.constant 0 : i32
      %dma_wait3A_80 = arith.constant 0 : i32
      %dma_wait3A_81 = tpu.memref_slice %arg3[%arg1, %dma_wait3A_79, %dma_wait3A_80] : memref<16x250x80xi32, #tpu.memory_space<hbm>> -> memref<1x250x80xi32, #tpu.memory_space<hbm>>
      %dma_wait3A_82 = tpu.memref_squeeze %dma_wait3A_81 : memref<1x250x80xi32, #tpu.memory_space<hbm>> -> memref<250x80xi32, #tpu.memory_space<hbm>>
      %dma_wait3A_83 = arith.constant 0 : i32
      %dma_wait3A_84 = arith.constant 0 : i32
      %dma_wait3A_85 = tpu.memref_slice %arg3[%arg1, %dma_wait3A_83, %dma_wait3A_84] : memref<16x250x80xi32, #tpu.memory_space<hbm>> -> memref<1x250x80xi32, #tpu.memory_space<hbm>>
      %dma_wait3A_86 = tpu.memref_squeeze %dma_wait3A_85 : memref<1x250x80xi32, #tpu.memory_space<hbm>> -> memref<250x80xi32, #tpu.memory_space<hbm>>
      tpu.wait_dma2 semaphore(%run_scoped3A : memref<!tpu.dma_semaphore, #tpu.memory_space<semaphore_mem>>) src(%dma_wait3A_86 : memref<250x80xi32, #tpu.memory_space<hbm>>) dst(%arg9 : memref<250x80xi32, #tpu.memory_space<vmem>>)
      tpu.yield
    }) : () -> ()
    "tpu.region"() ({
      %run_scoped3A = tpu.sem_alloc : memref<!tpu.dma_semaphore, #tpu.memory_space<semaphore_mem>>
      %dma_start3A_71 = arith.constant 0 : i32
      %dma_start3A_72 = arith.constant 0 : i32
      %dma_start3A_73 = tpu.memref_slice %arg4[%arg1, %dma_start3A_71, %dma_start3A_72] : memref<16x250x80xf32, #tpu.memory_space<hbm>> -> memref<1x250x80xf32, #tpu.memory_space<hbm>>
      %dma_start3A_74 = tpu.memref_squeeze %dma_start3A_73 : memref<1x250x80xf32, #tpu.memory_space<hbm>> -> memref<250x80xf32, #tpu.memory_space<hbm>>
      %dma_start3A_75 = arith.constant 0 : i32
      %dma_start3A_76 = arith.constant 0 : i32
      %dma_start3A_77 = tpu.memref_slice %arg4[%arg1, %dma_start3A_75, %dma_start3A_76] : memref<16x250x80xf32, #tpu.memory_space<hbm>> -> memref<1x250x80xf32, #tpu.memory_space<hbm>>
      %dma_start3A_78 = tpu.memref_squeeze %dma_start3A_77 : memref<1x250x80xf32, #tpu.memory_space<hbm>> -> memref<250x80xf32, #tpu.memory_space<hbm>>
      tpu.enqueue_dma source(%dma_start3A_78 : memref<250x80xf32, #tpu.memory_space<hbm>>) target(%arg10 : memref<250x80xf32, #tpu.memory_space<vmem>>) target_semaphore(%run_scoped3A : memref<!tpu.dma_semaphore, #tpu.memory_space<semaphore_mem>>)
      %dma_wait3A_79 = arith.constant 0 : i32
      %dma_wait3A_80 = arith.constant 0 : i32
      %dma_wait3A_81 = tpu.memref_slice %arg4[%arg1, %dma_wait3A_79, %dma_wait3A_80] : memref<16x250x80xf32, #tpu.memory_space<hbm>> -> memref<1x250x80xf32, #tpu.memory_space<hbm>>
      %dma_wait3A_82 = tpu.memref_squeeze %dma_wait3A_81 : memref<1x250x80xf32, #tpu.memory_space<hbm>> -> memref<250x80xf32, #tpu.memory_space<hbm>>
      %dma_wait3A_83 = arith.constant 0 : i32
      %dma_wait3A_84 = arith.constant 0 : i32
      %dma_wait3A_85 = tpu.memref_slice %arg4[%arg1, %dma_wait3A_83, %dma_wait3A_84] : memref<16x250x80xf32, #tpu.memory_space<hbm>> -> memref<1x250x80xf32, #tpu.memory_space<hbm>>
      %dma_wait3A_86 = tpu.memref_squeeze %dma_wait3A_85 : memref<1x250x80xf32, #tpu.memory_space<hbm>> -> memref<250x80xf32, #tpu.memory_space<hbm>>
      tpu.wait_dma2 semaphore(%run_scoped3A : memref<!tpu.dma_semaphore, #tpu.memory_space<semaphore_mem>>) src(%dma_wait3A_86 : memref<250x80xf32, #tpu.memory_space<hbm>>) dst(%arg10 : memref<250x80xf32, #tpu.memory_space<vmem>>)
      tpu.yield
    }) : () -> ()
    %eq3A = arith.constant 0 : i32
    %eq3A_0 = arith.cmpi eq, %arg1, %eq3A : i32
    %convert_element_type3A = arith.extui %eq3A_0 : i1 to i32
    %cond3A = arith.constant 0 : i32
    %cond3A_1 = arith.cmpi ne, %convert_element_type3A, %cond3A : i32
    scf.if %cond3A_1 {
      "tpu.region"() ({
        %run_scoped3A = tpu.sem_alloc : memref<!tpu.dma_semaphore, #tpu.memory_space<semaphore_mem>>
        tpu.enqueue_dma source(%arg6 : memref<10000x64xf32, #tpu.memory_space<hbm>>) target(%arg12 : memref<10000x64xf32, #tpu.memory_space<vmem_shared>>) target_semaphore(%run_scoped3A : memref<!tpu.dma_semaphore, #tpu.memory_space<semaphore_mem>>)
        tpu.wait_dma2 semaphore(%run_scoped3A : memref<!tpu.dma_semaphore, #tpu.memory_space<semaphore_mem>>) src(%arg6 : memref<10000x64xf32, #tpu.memory_space<hbm>>) dst(%arg12 : memref<10000x64xf32, #tpu.memory_space<vmem_shared>>)
        tpu.yield
      }) : () -> ()
    } else {
    }
    %barrier3A = arith.constant 0 : index
    tpu.barrier barrier_id(%barrier3A)
    %dma_start3A = arith.constant 0 : i32
    %dma_start3A_2 = arith.constant 0 : i32
    %dma_start3A_3 = arith.constant 0 : i32
    %dma_start3A_4 = arith.constant 0 : i32
    %dma_start3A_5 = tpu.memref_slice %arg11[%dma_start3A_2, %dma_start3A_3, %dma_start3A_4] : memref<4x80x64xf32, #tpu.memory_space<vmem>> -> memref<1x80x64xf32, #tpu.memory_space<vmem>>
    %dma_start3A_6 = tpu.memref_squeeze %dma_start3A_5 : memref<1x80x64xf32, #tpu.memory_space<vmem>> -> memref<80x64xf32, #tpu.memory_space<vmem>>
    %dma_start3A_7 = arith.constant 0 : i32
    %dma_start3A_8 = tpu.memref_slice %arg8[%dma_start3A, %dma_start3A_7] : memref<250x80xi32, #tpu.memory_space<vmem>> -> memref<1x80xi32, #tpu.memory_space<vmem>>
    %dma_start3A_9 = tpu.memref_squeeze %dma_start3A_8 : memref<1x80xi32, #tpu.memory_space<vmem>> -> memref<80xi32, #tpu.memory_space<vmem>>
    %dma_start3A_10 = arith.constant 0 : i32
    %dma_start3A_11 = arith.constant 0 : i32
    %dma_start3A_12 = tpu.memref_slice %arg5[%arg0, %dma_start3A_10, %dma_start3A_11] : memref<2x10000x64xf32, #tpu.memory_space<hbm>> -> memref<1x10000x64xf32, #tpu.memory_space<hbm>>
    %dma_start3A_13 = tpu.memref_squeeze %dma_start3A_12 : memref<1x10000x64xf32, #tpu.memory_space<hbm>> -> memref<10000x64xf32, #tpu.memory_space<hbm>>
    %dma_start3A_14 = arith.constant 0 : i32
    %dma_start3A_15 = arith.constant 0 : i32
    %dma_start3A_16 = tpu.memref_slice %dma_start3A_13[%dma_start3A_14, %dma_start3A_15] : memref<10000x64xf32, #tpu.memory_space<hbm>> -> memref<10000x64xf32, #tpu.memory_space<hbm>>
    tpu.enqueue_indirect_dma source(%dma_start3A_16 : memref<10000x64xf32, #tpu.memory_space<hbm>>) target(%dma_start3A_6 : memref<80x64xf32, #tpu.memory_space<vmem>>) offsets(%dma_start3A_9 : memref<80xi32, #tpu.memory_space<vmem>>) semaphore(%arg13 : memref<!tpu.dma_semaphore, #tpu.memory_space<semaphore_mem>>)
    %dma_start3A_17 = arith.constant 1 : i32
    %dma_start3A_18 = arith.constant 1 : i32
    %dma_start3A_19 = arith.constant 0 : i32
    %dma_start3A_20 = arith.constant 0 : i32
    %dma_start3A_21 = tpu.memref_slice %arg11[%dma_start3A_18, %dma_start3A_19, %dma_start3A_20] : memref<4x80x64xf32, #tpu.memory_space<vmem>> -> memref<1x80x64xf32, #tpu.memory_space<vmem>>
    %dma_start3A_22 = tpu.memref_squeeze %dma_start3A_21 : memref<1x80x64xf32, #tpu.memory_space<vmem>> -> memref<80x64xf32, #tpu.memory_space<vmem>>
    %dma_start3A_23 = arith.constant 0 : i32
    %dma_start3A_24 = tpu.memref_slice %arg8[%dma_start3A_17, %dma_start3A_23] : memref<250x80xi32, #tpu.memory_space<vmem>> -> memref<1x80xi32, #tpu.memory_space<vmem>>
    %dma_start3A_25 = tpu.memref_squeeze %dma_start3A_24 : memref<1x80xi32, #tpu.memory_space<vmem>> -> memref<80xi32, #tpu.memory_space<vmem>>
    %dma_start3A_26 = arith.constant 0 : i32
    %dma_start3A_27 = arith.constant 0 : i32
    %dma_start3A_28 = tpu.memref_slice %arg5[%arg0, %dma_start3A_26, %dma_start3A_27] : memref<2x10000x64xf32, #tpu.memory_space<hbm>> -> memref<1x10000x64xf32, #tpu.memory_space<hbm>>
    %dma_start3A_29 = tpu.memref_squeeze %dma_start3A_28 : memref<1x10000x64xf32, #tpu.memory_space<hbm>> -> memref<10000x64xf32, #tpu.memory_space<hbm>>
    %dma_start3A_30 = arith.constant 0 : i32
    %dma_start3A_31 = arith.constant 0 : i32
    %dma_start3A_32 = tpu.memref_slice %dma_start3A_29[%dma_start3A_30, %dma_start3A_31] : memref<10000x64xf32, #tpu.memory_space<hbm>> -> memref<10000x64xf32, #tpu.memory_space<hbm>>
    tpu.enqueue_indirect_dma source(%dma_start3A_32 : memref<10000x64xf32, #tpu.memory_space<hbm>>) target(%dma_start3A_22 : memref<80x64xf32, #tpu.memory_space<vmem>>) offsets(%dma_start3A_25 : memref<80xi32, #tpu.memory_space<vmem>>) semaphore(%arg13 : memref<!tpu.dma_semaphore, #tpu.memory_space<semaphore_mem>>)
    %dma_start3A_33 = arith.constant 2 : i32
    %dma_start3A_34 = arith.constant 2 : i32
    %dma_start3A_35 = arith.constant 0 : i32
    %dma_start3A_36 = arith.constant 0 : i32
    %dma_start3A_37 = tpu.memref_slice %arg11[%dma_start3A_34, %dma_start3A_35, %dma_start3A_36] : memref<4x80x64xf32, #tpu.memory_space<vmem>> -> memref<1x80x64xf32, #tpu.memory_space<vmem>>
    %dma_start3A_38 = tpu.memref_squeeze %dma_start3A_37 : memref<1x80x64xf32, #tpu.memory_space<vmem>> -> memref<80x64xf32, #tpu.memory_space<vmem>>
    %dma_start3A_39 = arith.constant 0 : i32
    %dma_start3A_40 = tpu.memref_slice %arg8[%dma_start3A_33, %dma_start3A_39] : memref<250x80xi32, #tpu.memory_space<vmem>> -> memref<1x80xi32, #tpu.memory_space<vmem>>
    %dma_start3A_41 = tpu.memref_squeeze %dma_start3A_40 : memref<1x80xi32, #tpu.memory_space<vmem>> -> memref<80xi32, #tpu.memory_space<vmem>>
    %dma_start3A_42 = arith.constant 0 : i32
    %dma_start3A_43 = arith.constant 0 : i32
    %dma_start3A_44 = tpu.memref_slice %arg5[%arg0, %dma_start3A_42, %dma_start3A_43] : memref<2x10000x64xf32, #tpu.memory_space<hbm>> -> memref<1x10000x64xf32, #tpu.memory_space<hbm>>
    %dma_start3A_45 = tpu.memref_squeeze %dma_start3A_44 : memref<1x10000x64xf32, #tpu.memory_space<hbm>> -> memref<10000x64xf32, #tpu.memory_space<hbm>>
    %dma_start3A_46 = arith.constant 0 : i32
    %dma_start3A_47 = arith.constant 0 : i32
    %dma_start3A_48 = tpu.memref_slice %dma_start3A_45[%dma_start3A_46, %dma_start3A_47] : memref<10000x64xf32, #tpu.memory_space<hbm>> -> memref<10000x64xf32, #tpu.memory_space<hbm>>
    tpu.enqueue_indirect_dma source(%dma_start3A_48 : memref<10000x64xf32, #tpu.memory_space<hbm>>) target(%dma_start3A_38 : memref<80x64xf32, #tpu.memory_space<vmem>>) offsets(%dma_start3A_41 : memref<80xi32, #tpu.memory_space<vmem>>) semaphore(%arg13 : memref<!tpu.dma_semaphore, #tpu.memory_space<semaphore_mem>>)
    %scan3A = arith.constant 0 : i32
    %scan3A_49 = arith.constant 0 : i32
    %scan3A_50 = arith.constant 250 : i32
    %scan3A_51 = arith.addi %scan3A_49, %scan3A_50 : i32
    %scan3A_52 = arith.constant 1 : i32
    scf.for %scan3A_71 = %scan3A_49 to %scan3A_51 step %scan3A_52  : i32 {
      %jit3A = arith.constant 4 : i32
      %eq3A_72 = arith.constant 0 : i32
      %eq3A_73 = arith.cmpi eq, %jit3A, %eq3A_72 : i32
      %jit3A_74 = arith.constant 1 : i32
      %select_n3A = arith.select %eq3A_73, %jit3A_74, %jit3A : i32
      %rem3A = arith.remsi %scan3A_71, %select_n3A : i32
      %ne3A = arith.constant 0 : i32
      %ne3A_75 = arith.cmpi ne, %rem3A, %ne3A : i32
      %lt3A = arith.constant 0 : i32
      %lt3A_76 = arith.cmpi slt, %rem3A, %lt3A : i32
      %lt3A_77 = arith.constant 0 : i32
      %lt3A_78 = arith.cmpi slt, %select_n3A, %lt3A_77 : i32
      %ne3A_79 = arith.xori %lt3A_76, %lt3A_78 : i1
      %and3A = arith.andi %ne3A_79, %ne3A_75 : i1
      %add3A = arith.addi %rem3A, %select_n3A : i32
      %select_n3A_80 = arith.select %and3A, %add3A, %rem3A : i32
      %dma_wait3A_81 = arith.constant 0 : i32
      %dma_wait3A_82 = arith.constant 0 : i32
      %dma_wait3A_83 = tpu.memref_slice %arg11[%select_n3A_80, %dma_wait3A_81, %dma_wait3A_82] : memref<4x80x64xf32, #tpu.memory_space<vmem>> -> memref<1x80x64xf32, #tpu.memory_space<vmem>>
      %dma_wait3A_84 = tpu.memref_squeeze %dma_wait3A_83 : memref<1x80x64xf32, #tpu.memory_space<vmem>> -> memref<80x64xf32, #tpu.memory_space<vmem>>
      %dma_wait3A_85 = arith.constant 0 : i32
      %dma_wait3A_86 = tpu.memref_slice %arg8[%scan3A_71, %dma_wait3A_85] : memref<250x80xi32, #tpu.memory_space<vmem>> -> memref<1x80xi32, #tpu.memory_space<vmem>>
      %dma_wait3A_87 = tpu.memref_squeeze %dma_wait3A_86 : memref<1x80xi32, #tpu.memory_space<vmem>> -> memref<80xi32, #tpu.memory_space<vmem>>
      %dma_wait3A_88 = arith.constant 0 : i32
      %dma_wait3A_89 = arith.constant 0 : i32
      %dma_wait3A_90 = tpu.memref_slice %arg5[%arg0, %dma_wait3A_88, %dma_wait3A_89] : memref<2x10000x64xf32, #tpu.memory_space<hbm>> -> memref<1x10000x64xf32, #tpu.memory_space<hbm>>
      %dma_wait3A_91 = tpu.memref_squeeze %dma_wait3A_90 : memref<1x10000x64xf32, #tpu.memory_space<hbm>> -> memref<10000x64xf32, #tpu.memory_space<hbm>>
      %dma_wait3A_92 = arith.constant 0 : i32
      %dma_wait3A_93 = arith.constant 0 : i32
      %dma_wait3A_94 = tpu.memref_slice %dma_wait3A_91[%dma_wait3A_92, %dma_wait3A_93] : memref<10000x64xf32, #tpu.memory_space<hbm>> -> memref<10000x64xf32, #tpu.memory_space<hbm>>
      tpu.wait_indirect_dma semaphore(%arg13 : memref<!tpu.dma_semaphore, #tpu.memory_space<semaphore_mem>>) src(%dma_wait3A_94 : memref<10000x64xf32, #tpu.memory_space<hbm>>) dst(%dma_wait3A_84 : memref<80x64xf32, #tpu.memory_space<vmem>>)
      %broadcast_in_dim3A = vector.broadcast %scan3A_71 : i32 to vector<16xi32>
      %scan3A_95 = arith.constant 0 : i32
      %scan3A_96 = arith.constant 0 : i32
      %scan3A_97 = arith.constant 10 : i32
      %scan3A_98 = arith.addi %scan3A_96, %scan3A_97 : i32
      %scan3A_99 = arith.constant 1 : i32
      scf.for %scan3A_123 = %scan3A_96 to %scan3A_98 step %scan3A_99  : i32 {
        %mul3A = arith.constant 8 : i32
        %mul3A_124 = arith.muli %scan3A_123, %mul3A : i32
        %add3A_125 = arith.constant 0 : i32
        %add3A_126 = arith.addi %mul3A_124, %add3A_125 : i32
        %broadcast_in_dim3A_127 = vector.broadcast %add3A_126 : i32 to vector<16xi32>
        %gather3A = tpu.vector_load_idx %arg10[%broadcast_in_dim3A, %broadcast_in_dim3A_127] : memref<250x80xf32, #tpu.memory_space<vmem>>[vector<16xi32>, vector<16xi32>], vector<16xf32>,
        %get3A = arith.index_cast %select_n3A_80 : i32 to index
        %get3A_128 = arith.index_cast %add3A_126 : i32 to index
        %get3A_129 = arith.constant 0 : index
        %get3A_130 = tpu.vector_load %arg11[%get3A, %get3A_128, %get3A_129] {strides = array<i32>} : memref<4x80x64xf32, #tpu.memory_space<vmem>>, vector<16xf32>,
        %mul3A_131 = arith.mulf %get3A_130, %gather3A : vector<16xf32>
        %swap3A = arith.index_cast %select_n3A_80 : i32 to index
        %swap3A_132 = arith.index_cast %add3A_126 : i32 to index
        %swap3A_133 = arith.constant 0 : index
        %swap3A_134 = tpu.vector_load %arg11[%swap3A, %swap3A_132, %swap3A_133] {strides = array<i32>} : memref<4x80x64xf32, #tpu.memory_space<vmem>>, vector<16xf32>,
        tpu.vector_store %arg11[%swap3A, %swap3A_132, %swap3A_133], %mul3A_131 {strides = array<i32>} : memref<4x80x64xf32, #tpu.memory_space<vmem>>, vector<16xf32>,
        %get3A_135 = arith.index_cast %select_n3A_80 : i32 to index
        %get3A_136 = arith.index_cast %add3A_126 : i32 to index
        %get3A_137 = arith.constant 16 : index
        %get3A_138 = tpu.vector_load %arg11[%get3A_135, %get3A_136, %get3A_137] {strides = array<i32>} : memref<4x80x64xf32, #tpu.memory_space<vmem>>, vector<16xf32>,
        %mul3A_139 = arith.mulf %get3A_138, %gather3A : vector<16xf32>
        %swap3A_140 = arith.index_cast %select_n3A_80 : i32 to index
        %swap3A_141 = arith.index_cast %add3A_126 : i32 to index
        %swap3A_142 = arith.constant 16 : index
        %swap3A_143 = tpu.vector_load %arg11[%swap3A_140, %swap3A_141, %swap3A_142] {strides = array<i32>} : memref<4x80x64xf32, #tpu.memory_space<vmem>>, vector<16xf32>,
        tpu.vector_store %arg11[%swap3A_140, %swap3A_141, %swap3A_142], %mul3A_139 {strides = array<i32>} : memref<4x80x64xf32, #tpu.memory_space<vmem>>, vector<16xf32>,
        %get3A_144 = arith.index_cast %select_n3A_80 : i32 to index
        %get3A_145 = arith.index_cast %add3A_126 : i32 to index
        %get3A_146 = arith.constant 32 : index
        %get3A_147 = tpu.vector_load %arg11[%get3A_144, %get3A_145, %get3A_146] {strides = array<i32>} : memref<4x80x64xf32, #tpu.memory_space<vmem>>, vector<16xf32>,
        %mul3A_148 = arith.mulf %get3A_147, %gather3A : vector<16xf32>
        %swap3A_149 = arith.index_cast %select_n3A_80 : i32 to index
        %swap3A_150 = arith.index_cast %add3A_126 : i32 to index
        %swap3A_151 = arith.constant 32 : index
        %swap3A_152 = tpu.vector_load %arg11[%swap3A_149, %swap3A_150, %swap3A_151] {strides = array<i32>} : memref<4x80x64xf32, #tpu.memory_space<vmem>>, vector<16xf32>,
        tpu.vector_store %arg11[%swap3A_149, %swap3A_150, %swap3A_151], %mul3A_148 {strides = array<i32>} : memref<4x80x64xf32, #tpu.memory_space<vmem>>, vector<16xf32>,
        %get3A_153 = arith.index_cast %select_n3A_80 : i32 to index
        %get3A_154 = arith.index_cast %add3A_126 : i32 to index
        %get3A_155 = arith.constant 48 : index
        %get3A_156 = tpu.vector_load %arg11[%get3A_153, %get3A_154, %get3A_155] {strides = array<i32>} : memref<4x80x64xf32, #tpu.memory_space<vmem>>, vector<16xf32>,
        %mul3A_157 = arith.mulf %get3A_156, %gather3A : vector<16xf32>
        %swap3A_158 = arith.index_cast %select_n3A_80 : i32 to index
        %swap3A_159 = arith.index_cast %add3A_126 : i32 to index
        %swap3A_160 = arith.constant 48 : index
        %swap3A_161 = tpu.vector_load %arg11[%swap3A_158, %swap3A_159, %swap3A_160] {strides = array<i32>} : memref<4x80x64xf32, #tpu.memory_space<vmem>>, vector<16xf32>,
        tpu.vector_store %arg11[%swap3A_158, %swap3A_159, %swap3A_160], %mul3A_157 {strides = array<i32>} : memref<4x80x64xf32, #tpu.memory_space<vmem>>, vector<16xf32>,
        %mul3A_162 = arith.constant 8 : i32
        %mul3A_163 = arith.muli %scan3A_123, %mul3A_162 : i32
        %add3A_164 = arith.constant 1 : i32
        %add3A_165 = arith.addi %mul3A_163, %add3A_164 : i32
        %broadcast_in_dim3A_166 = vector.broadcast %add3A_165 : i32 to vector<16xi32>
        %gather3A_167 = tpu.vector_load_idx %arg10[%broadcast_in_dim3A, %broadcast_in_dim3A_166] : memref<250x80xf32, #tpu.memory_space<vmem>>[vector<16xi32>, vector<16xi32>], vector<16xf32>,
        %get3A_168 = arith.index_cast %select_n3A_80 : i32 to index
        %get3A_169 = arith.index_cast %add3A_165 : i32 to index
        %get3A_170 = arith.constant 0 : index
        %get3A_171 = tpu.vector_load %arg11[%get3A_168, %get3A_169, %get3A_170] {strides = array<i32>} : memref<4x80x64xf32, #tpu.memory_space<vmem>>, vector<16xf32>,
        %mul3A_172 = arith.mulf %get3A_171, %gather3A_167 : vector<16xf32>
        %swap3A_173 = arith.index_cast %select_n3A_80 : i32 to index
        %swap3A_174 = arith.index_cast %add3A_165 : i32 to index
        %swap3A_175 = arith.constant 0 : index
        %swap3A_176 = tpu.vector_load %arg11[%swap3A_173, %swap3A_174, %swap3A_175] {strides = array<i32>} : memref<4x80x64xf32, #tpu.memory_space<vmem>>, vector<16xf32>,
        tpu.vector_store %arg11[%swap3A_173, %swap3A_174, %swap3A_175], %mul3A_172 {strides = array<i32>} : memref<4x80x64xf32, #tpu.memory_space<vmem>>, vector<16xf32>,
        %get3A_177 = arith.index_cast %select_n3A_80 : i32 to index
        %get3A_178 = arith.index_cast %add3A_165 : i32 to index
        %get3A_179 = arith.constant 16 : index
        %get3A_180 = tpu.vector_load %arg11[%get3A_177, %get3A_178, %get3A_179] {strides = array<i32>} : memref<4x80x64xf32, #tpu.memory_space<vmem>>, vector<16xf32>,
        %mul3A_181 = arith.mulf %get3A_180, %gather3A_167 : vector<16xf32>
        %swap3A_182 = arith.index_cast %select_n3A_80 : i32 to index
        %swap3A_183 = arith.index_cast %add3A_165 : i32 to index
        %swap3A_184 = arith.constant 16 : index
        %swap3A_185 = tpu.vector_load %arg11[%swap3A_182, %swap3A_183, %swap3A_184] {strides = array<i32>} : memref<4x80x64xf32, #tpu.memory_space<vmem>>, vector<16xf32>,
        tpu.vector_store %arg11[%swap3A_182, %swap3A_183, %swap3A_184], %mul3A_181 {strides = array<i32>} : memref<4x80x64xf32, #tpu.memory_space<vmem>>, vector<16xf32>,
        %get3A_186 = arith.index_cast %select_n3A_80 : i32 to index
        %get3A_187 = arith.index_cast %add3A_165 : i32 to index
        %get3A_188 = arith.constant 32 : index
        %get3A_189 = tpu.vector_load %arg11[%get3A_186, %get3A_187, %get3A_188] {strides = array<i32>} : memref<4x80x64xf32, #tpu.memory_space<vmem>>, vector<16xf32>,
        %mul3A_190 = arith.mulf %get3A_189, %gather3A_167 : vector<16xf32>
        %swap3A_191 = arith.index_cast %select_n3A_80 : i32 to index
        %swap3A_192 = arith.index_cast %add3A_165 : i32 to index
        %swap3A_193 = arith.constant 32 : index
        %swap3A_194 = tpu.vector_load %arg11[%swap3A_191, %swap3A_192, %swap3A_193] {strides = array<i32>} : memref<4x80x64xf32, #tpu.memory_space<vmem>>, vector<16xf32>,
        tpu.vector_store %arg11[%swap3A_191, %swap3A_192, %swap3A_193], %mul3A_190 {strides = array<i32>} : memref<4x80x64xf32, #tpu.memory_space<vmem>>, vector<16xf32>,
        %get3A_195 = arith.index_cast %select_n3A_80 : i32 to index
        %get3A_196 = arith.index_cast %add3A_165 : i32 to index
        %get3A_197 = arith.constant 48 : index
        %get3A_198 = tpu.vector_load %arg11[%get3A_195, %get3A_196, %get3A_197] {strides = array<i32>} : memref<4x80x64xf32, #tpu.memory_space<vmem>>, vector<16xf32>,
        %mul3A_199 = arith.mulf %get3A_198, %gather3A_167 : vector<16xf32>
        %swap3A_200 = arith.index_cast %select_n3A_80 : i32 to index
        %swap3A_201 = arith.index_cast %add3A_165 : i32 to index
        %swap3A_202 = arith.constant 48 : index
        %swap3A_203 = tpu.vector_load %arg11[%swap3A_200, %swap3A_201, %swap3A_202] {strides = array<i32>} : memref<4x80x64xf32, #tpu.memory_space<vmem>>, vector<16xf32>,
        tpu.vector_store %arg11[%swap3A_200, %swap3A_201, %swap3A_202], %mul3A_199 {strides = array<i32>} : memref<4x80x64xf32, #tpu.memory_space<vmem>>, vector<16xf32>,
        %mul3A_204 = arith.constant 8 : i32
        %mul3A_205 = arith.muli %scan3A_123, %mul3A_204 : i32
        %add3A_206 = arith.constant 2 : i32
        %add3A_207 = arith.addi %mul3A_205, %add3A_206 : i32
        %broadcast_in_dim3A_208 = vector.broadcast %add3A_207 : i32 to vector<16xi32>
        %gather3A_209 = tpu.vector_load_idx %arg10[%broadcast_in_dim3A, %broadcast_in_dim3A_208] : memref<250x80xf32, #tpu.memory_space<vmem>>[vector<16xi32>, vector<16xi32>], vector<16xf32>,
        %get3A_210 = arith.index_cast %select_n3A_80 : i32 to index
        %get3A_211 = arith.index_cast %add3A_207 : i32 to index
        %get3A_212 = arith.constant 0 : index
        %get3A_213 = tpu.vector_load %arg11[%get3A_210, %get3A_211, %get3A_212] {strides = array<i32>} : memref<4x80x64xf32, #tpu.memory_space<vmem>>, vector<16xf32>,
        %mul3A_214 = arith.mulf %get3A_213, %gather3A_209 : vector<16xf32>
        %swap3A_215 = arith.index_cast %select_n3A_80 : i32 to index
        %swap3A_216 = arith.index_cast %add3A_207 : i32 to index
        %swap3A_217 = arith.constant 0 : index
        %swap3A_218 = tpu.vector_load %arg11[%swap3A_215, %swap3A_216, %swap3A_217] {strides = array<i32>} : memref<4x80x64xf32, #tpu.memory_space<vmem>>, vector<16xf32>,
        tpu.vector_store %arg11[%swap3A_215, %swap3A_216, %swap3A_217], %mul3A_214 {strides = array<i32>} : memref<4x80x64xf32, #tpu.memory_space<vmem>>, vector<16xf32>,
        %get3A_219 = arith.index_cast %select_n3A_80 : i32 to index
        %get3A_220 = arith.index_cast %add3A_207 : i32 to index
        %get3A_221 = arith.constant 16 : index
        %get3A_222 = tpu.vector_load %arg11[%get3A_219, %get3A_220, %get3A_221] {strides = array<i32>} : memref<4x80x64xf32, #tpu.memory_space<vmem>>, vector<16xf32>,
        %mul3A_223 = arith.mulf %get3A_222, %gather3A_209 : vector<16xf32>
        %swap3A_224 = arith.index_cast %select_n3A_80 : i32 to index
        %swap3A_225 = arith.index_cast %add3A_207 : i32 to index
        %swap3A_226 = arith.constant 16 : index
        %swap3A_227 = tpu.vector_load %arg11[%swap3A_224, %swap3A_225, %swap3A_226] {strides = array<i32>} : memref<4x80x64xf32, #tpu.memory_space<vmem>>, vector<16xf32>,
        tpu.vector_store %arg11[%swap3A_224, %swap3A_225, %swap3A_226], %mul3A_223 {strides = array<i32>} : memref<4x80x64xf32, #tpu.memory_space<vmem>>, vector<16xf32>,
        %get3A_228 = arith.index_cast %select_n3A_80 : i32 to index
        %get3A_229 = arith.index_cast %add3A_207 : i32 to index
        %get3A_230 = arith.constant 32 : index
        %get3A_231 = tpu.vector_load %arg11[%get3A_228, %get3A_229, %get3A_230] {strides = array<i32>} : memref<4x80x64xf32, #tpu.memory_space<vmem>>, vector<16xf32>,
        %mul3A_232 = arith.mulf %get3A_231, %gather3A_209 : vector<16xf32>
        %swap3A_233 = arith.index_cast %select_n3A_80 : i32 to index
        %swap3A_234 = arith.index_cast %add3A_207 : i32 to index
        %swap3A_235 = arith.constant 32 : index
        %swap3A_236 = tpu.vector_load %arg11[%swap3A_233, %swap3A_234, %swap3A_235] {strides = array<i32>} : memref<4x80x64xf32, #tpu.memory_space<vmem>>, vector<16xf32>,
        tpu.vector_store %arg11[%swap3A_233, %swap3A_234, %swap3A_235], %mul3A_232 {strides = array<i32>} : memref<4x80x64xf32, #tpu.memory_space<vmem>>, vector<16xf32>,
        %get3A_237 = arith.index_cast %select_n3A_80 : i32 to index
        %get3A_238 = arith.index_cast %add3A_207 : i32 to index
        %get3A_239 = arith.constant 48 : index
        %get3A_240 = tpu.vector_load %arg11[%get3A_237, %get3A_238, %get3A_239] {strides = array<i32>} : memref<4x80x64xf32, #tpu.memory_space<vmem>>, vector<16xf32>,
        %mul3A_241 = arith.mulf %get3A_240, %gather3A_209 : vector<16xf32>
        %swap3A_242 = arith.index_cast %select_n3A_80 : i32 to index
        %swap3A_243 = arith.index_cast %add3A_207 : i32 to index
        %swap3A_244 = arith.constant 48 : index
        %swap3A_245 = tpu.vector_load %arg11[%swap3A_242, %swap3A_243, %swap3A_244] {strides = array<i32>} : memref<4x80x64xf32, #tpu.memory_space<vmem>>, vector<16xf32>,
        tpu.vector_store %arg11[%swap3A_242, %swap3A_243, %swap3A_244], %mul3A_241 {strides = array<i32>} : memref<4x80x64xf32, #tpu.memory_space<vmem>>, vector<16xf32>,
        %mul3A_246 = arith.constant 8 : i32
        %mul3A_247 = arith.muli %scan3A_123, %mul3A_246 : i32
        %add3A_248 = arith.constant 3 : i32
        %add3A_249 = arith.addi %mul3A_247, %add3A_248 : i32
        %broadcast_in_dim3A_250 = vector.broadcast %add3A_249 : i32 to vector<16xi32>
        %gather3A_251 = tpu.vector_load_idx %arg10[%broadcast_in_dim3A, %broadcast_in_dim3A_250] : memref<250x80xf32, #tpu.memory_space<vmem>>[vector<16xi32>, vector<16xi32>], vector<16xf32>,
        %get3A_252 = arith.index_cast %select_n3A_80 : i32 to index
        %get3A_253 = arith.index_cast %add3A_249 : i32 to index
        %get3A_254 = arith.constant 0 : index
        %get3A_255 = tpu.vector_load %arg11[%get3A_252, %get3A_253, %get3A_254] {strides = array<i32>} : memref<4x80x64xf32, #tpu.memory_space<vmem>>, vector<16xf32>,
        %mul3A_256 = arith.mulf %get3A_255, %gather3A_251 : vector<16xf32>
        %swap3A_257 = arith.index_cast %select_n3A_80 : i32 to index
        %swap3A_258 = arith.index_cast %add3A_249 : i32 to index
        %swap3A_259 = arith.constant 0 : index
        %swap3A_260 = tpu.vector_load %arg11[%swap3A_257, %swap3A_258, %swap3A_259] {strides = array<i32>} : memref<4x80x64xf32, #tpu.memory_space<vmem>>, vector<16xf32>,
        tpu.vector_store %arg11[%swap3A_257, %swap3A_258, %swap3A_259], %mul3A_256 {strides = array<i32>} : memref<4x80x64xf32, #tpu.memory_space<vmem>>, vector<16xf32>,
        %get3A_261 = arith.index_cast %select_n3A_80 : i32 to index
        %get3A_262 = arith.index_cast %add3A_249 : i32 to index
        %get3A_263 = arith.constant 16 : index
        %get3A_264 = tpu.vector_load %arg11[%get3A_261, %get3A_262, %get3A_263] {strides = array<i32>} : memref<4x80x64xf32, #tpu.memory_space<vmem>>, vector<16xf32>,
        %mul3A_265 = arith.mulf %get3A_264, %gather3A_251 : vector<16xf32>
        %swap3A_266 = arith.index_cast %select_n3A_80 : i32 to index
        %swap3A_267 = arith.index_cast %add3A_249 : i32 to index
        %swap3A_268 = arith.constant 16 : index
        %swap3A_269 = tpu.vector_load %arg11[%swap3A_266, %swap3A_267, %swap3A_268] {strides = array<i32>} : memref<4x80x64xf32, #tpu.memory_space<vmem>>, vector<16xf32>,
        tpu.vector_store %arg11[%swap3A_266, %swap3A_267, %swap3A_268], %mul3A_265 {strides = array<i32>} : memref<4x80x64xf32, #tpu.memory_space<vmem>>, vector<16xf32>,
        %get3A_270 = arith.index_cast %select_n3A_80 : i32 to index
        %get3A_271 = arith.index_cast %add3A_249 : i32 to index
        %get3A_272 = arith.constant 32 : index
        %get3A_273 = tpu.vector_load %arg11[%get3A_270, %get3A_271, %get3A_272] {strides = array<i32>} : memref<4x80x64xf32, #tpu.memory_space<vmem>>, vector<16xf32>,
        %mul3A_274 = arith.mulf %get3A_273, %gather3A_251 : vector<16xf32>
        %swap3A_275 = arith.index_cast %select_n3A_80 : i32 to index
        %swap3A_276 = arith.index_cast %add3A_249 : i32 to index
        %swap3A_277 = arith.constant 32 : index
        %swap3A_278 = tpu.vector_load %arg11[%swap3A_275, %swap3A_276, %swap3A_277] {strides = array<i32>} : memref<4x80x64xf32, #tpu.memory_space<vmem>>, vector<16xf32>,
        tpu.vector_store %arg11[%swap3A_275, %swap3A_276, %swap3A_277], %mul3A_274 {strides = array<i32>} : memref<4x80x64xf32, #tpu.memory_space<vmem>>, vector<16xf32>,
        %get3A_279 = arith.index_cast %select_n3A_80 : i32 to index
        %get3A_280 = arith.index_cast %add3A_249 : i32 to index
        %get3A_281 = arith.constant 48 : index
        %get3A_282 = tpu.vector_load %arg11[%get3A_279, %get3A_280, %get3A_281] {strides = array<i32>} : memref<4x80x64xf32, #tpu.memory_space<vmem>>, vector<16xf32>,
        %mul3A_283 = arith.mulf %get3A_282, %gather3A_251 : vector<16xf32>
        %swap3A_284 = arith.index_cast %select_n3A_80 : i32 to index
        %swap3A_285 = arith.index_cast %add3A_249 : i32 to index
        %swap3A_286 = arith.constant 48 : index
        %swap3A_287 = tpu.vector_load %arg11[%swap3A_284, %swap3A_285, %swap3A_286] {strides = array<i32>} : memref<4x80x64xf32, #tpu.memory_space<vmem>>, vector<16xf32>,
        tpu.vector_store %arg11[%swap3A_284, %swap3A_285, %swap3A_286], %mul3A_283 {strides = array<i32>} : memref<4x80x64xf32, #tpu.memory_space<vmem>>, vector<16xf32>,
        %mul3A_288 = arith.constant 8 : i32
        %mul3A_289 = arith.muli %scan3A_123, %mul3A_288 : i32
        %add3A_290 = arith.constant 4 : i32
        %add3A_291 = arith.addi %mul3A_289, %add3A_290 : i32
        %broadcast_in_dim3A_292 = vector.broadcast %add3A_291 : i32 to vector<16xi32>
        %gather3A_293 = tpu.vector_load_idx %arg10[%broadcast_in_dim3A, %broadcast_in_dim3A_292] : memref<250x80xf32, #tpu.memory_space<vmem>>[vector<16xi32>, vector<16xi32>], vector<16xf32>,
        %get3A_294 = arith.index_cast %select_n3A_80 : i32 to index
        %get3A_295 = arith.index_cast %add3A_291 : i32 to index
        %get3A_296 = arith.constant 0 : index
        %get3A_297 = tpu.vector_load %arg11[%get3A_294, %get3A_295, %get3A_296] {strides = array<i32>} : memref<4x80x64xf32, #tpu.memory_space<vmem>>, vector<16xf32>,
        %mul3A_298 = arith.mulf %get3A_297, %gather3A_293 : vector<16xf32>
        %swap3A_299 = arith.index_cast %select_n3A_80 : i32 to index
        %swap3A_300 = arith.index_cast %add3A_291 : i32 to index
        %swap3A_301 = arith.constant 0 : index
        %swap3A_302 = tpu.vector_load %arg11[%swap3A_299, %swap3A_300, %swap3A_301] {strides = array<i32>} : memref<4x80x64xf32, #tpu.memory_space<vmem>>, vector<16xf32>,
        tpu.vector_store %arg11[%swap3A_299, %swap3A_300, %swap3A_301], %mul3A_298 {strides = array<i32>} : memref<4x80x64xf32, #tpu.memory_space<vmem>>, vector<16xf32>,
        %get3A_303 = arith.index_cast %select_n3A_80 : i32 to index
        %get3A_304 = arith.index_cast %add3A_291 : i32 to index
        %get3A_305 = arith.constant 16 : index
        %get3A_306 = tpu.vector_load %arg11[%get3A_303, %get3A_304, %get3A_305] {strides = array<i32>} : memref<4x80x64xf32, #tpu.memory_space<vmem>>, vector<16xf32>,
        %mul3A_307 = arith.mulf %get3A_306, %gather3A_293 : vector<16xf32>
        %swap3A_308 = arith.index_cast %select_n3A_80 : i32 to index
        %swap3A_309 = arith.index_cast %add3A_291 : i32 to index
        %swap3A_310 = arith.constant 16 : index
        %swap3A_311 = tpu.vector_load %arg11[%swap3A_308, %swap3A_309, %swap3A_310] {strides = array<i32>} : memref<4x80x64xf32, #tpu.memory_space<vmem>>, vector<16xf32>,
        tpu.vector_store %arg11[%swap3A_308, %swap3A_309, %swap3A_310], %mul3A_307 {strides = array<i32>} : memref<4x80x64xf32, #tpu.memory_space<vmem>>, vector<16xf32>,
        %get3A_312 = arith.index_cast %select_n3A_80 : i32 to index
        %get3A_313 = arith.index_cast %add3A_291 : i32 to index
        %get3A_314 = arith.constant 32 : index
        %get3A_315 = tpu.vector_load %arg11[%get3A_312, %get3A_313, %get3A_314] {strides = array<i32>} : memref<4x80x64xf32, #tpu.memory_space<vmem>>, vector<16xf32>,
        %mul3A_316 = arith.mulf %get3A_315, %gather3A_293 : vector<16xf32>
        %swap3A_317 = arith.index_cast %select_n3A_80 : i32 to index
        %swap3A_318 = arith.index_cast %add3A_291 : i32 to index
        %swap3A_319 = arith.constant 32 : index
        %swap3A_320 = tpu.vector_load %arg11[%swap3A_317, %swap3A_318, %swap3A_319] {strides = array<i32>} : memref<4x80x64xf32, #tpu.memory_space<vmem>>, vector<16xf32>,
        tpu.vector_store %arg11[%swap3A_317, %swap3A_318, %swap3A_319], %mul3A_316 {strides = array<i32>} : memref<4x80x64xf32, #tpu.memory_space<vmem>>, vector<16xf32>,
        %get3A_321 = arith.index_cast %select_n3A_80 : i32 to index
        %get3A_322 = arith.index_cast %add3A_291 : i32 to index
        %get3A_323 = arith.constant 48 : index
        %get3A_324 = tpu.vector_load %arg11[%get3A_321, %get3A_322, %get3A_323] {strides = array<i32>} : memref<4x80x64xf32, #tpu.memory_space<vmem>>, vector<16xf32>,
        %mul3A_325 = arith.mulf %get3A_324, %gather3A_293 : vector<16xf32>
        %swap3A_326 = arith.index_cast %select_n3A_80 : i32 to index
        %swap3A_327 = arith.index_cast %add3A_291 : i32 to index
        %swap3A_328 = arith.constant 48 : index
        %swap3A_329 = tpu.vector_load %arg11[%swap3A_326, %swap3A_327, %swap3A_328] {strides = array<i32>} : memref<4x80x64xf32, #tpu.memory_space<vmem>>, vector<16xf32>,
        tpu.vector_store %arg11[%swap3A_326, %swap3A_327, %swap3A_328], %mul3A_325 {strides = array<i32>} : memref<4x80x64xf32, #tpu.memory_space<vmem>>, vector<16xf32>,
        %mul3A_330 = arith.constant 8 : i32
        %mul3A_331 = arith.muli %scan3A_123, %mul3A_330 : i32
        %add3A_332 = arith.constant 5 : i32
        %add3A_333 = arith.addi %mul3A_331, %add3A_332 : i32
        %broadcast_in_dim3A_334 = vector.broadcast %add3A_333 : i32 to vector<16xi32>
        %gather3A_335 = tpu.vector_load_idx %arg10[%broadcast_in_dim3A, %broadcast_in_dim3A_334] : memref<250x80xf32, #tpu.memory_space<vmem>>[vector<16xi32>, vector<16xi32>], vector<16xf32>,
        %get3A_336 = arith.index_cast %select_n3A_80 : i32 to index
        %get3A_337 = arith.index_cast %add3A_333 : i32 to index
        %get3A_338 = arith.constant 0 : index
        %get3A_339 = tpu.vector_load %arg11[%get3A_336, %get3A_337, %get3A_338] {strides = array<i32>} : memref<4x80x64xf32, #tpu.memory_space<vmem>>, vector<16xf32>,
        %mul3A_340 = arith.mulf %get3A_339, %gather3A_335 : vector<16xf32>
        %swap3A_341 = arith.index_cast %select_n3A_80 : i32 to index
        %swap3A_342 = arith.index_cast %add3A_333 : i32 to index
        %swap3A_343 = arith.constant 0 : index
        %swap3A_344 = tpu.vector_load %arg11[%swap3A_341, %swap3A_342, %swap3A_343] {strides = array<i32>} : memref<4x80x64xf32, #tpu.memory_space<vmem>>, vector<16xf32>,
        tpu.vector_store %arg11[%swap3A_341, %swap3A_342, %swap3A_343], %mul3A_340 {strides = array<i32>} : memref<4x80x64xf32, #tpu.memory_space<vmem>>, vector<16xf32>,
        %get3A_345 = arith.index_cast %select_n3A_80 : i32 to index
        %get3A_346 = arith.index_cast %add3A_333 : i32 to index
        %get3A_347 = arith.constant 16 : index
        %get3A_348 = tpu.vector_load %arg11[%get3A_345, %get3A_346, %get3A_347] {strides = array<i32>} : memref<4x80x64xf32, #tpu.memory_space<vmem>>, vector<16xf32>,
        %mul3A_349 = arith.mulf %get3A_348, %gather3A_335 : vector<16xf32>
        %swap3A_350 = arith.index_cast %select_n3A_80 : i32 to index
        %swap3A_351 = arith.index_cast %add3A_333 : i32 to index
        %swap3A_352 = arith.constant 16 : index
        %swap3A_353 = tpu.vector_load %arg11[%swap3A_350, %swap3A_351, %swap3A_352] {strides = array<i32>} : memref<4x80x64xf32, #tpu.memory_space<vmem>>, vector<16xf32>,
        tpu.vector_store %arg11[%swap3A_350, %swap3A_351, %swap3A_352], %mul3A_349 {strides = array<i32>} : memref<4x80x64xf32, #tpu.memory_space<vmem>>, vector<16xf32>,
        %get3A_354 = arith.index_cast %select_n3A_80 : i32 to index
        %get3A_355 = arith.index_cast %add3A_333 : i32 to index
        %get3A_356 = arith.constant 32 : index
        %get3A_357 = tpu.vector_load %arg11[%get3A_354, %get3A_355, %get3A_356] {strides = array<i32>} : memref<4x80x64xf32, #tpu.memory_space<vmem>>, vector<16xf32>,
        %mul3A_358 = arith.mulf %get3A_357, %gather3A_335 : vector<16xf32>
        %swap3A_359 = arith.index_cast %select_n3A_80 : i32 to index
        %swap3A_360 = arith.index_cast %add3A_333 : i32 to index
        %swap3A_361 = arith.constant 32 : index
        %swap3A_362 = tpu.vector_load %arg11[%swap3A_359, %swap3A_360, %swap3A_361] {strides = array<i32>} : memref<4x80x64xf32, #tpu.memory_space<vmem>>, vector<16xf32>,
        tpu.vector_store %arg11[%swap3A_359, %swap3A_360, %swap3A_361], %mul3A_358 {strides = array<i32>} : memref<4x80x64xf32, #tpu.memory_space<vmem>>, vector<16xf32>,
        %get3A_363 = arith.index_cast %select_n3A_80 : i32 to index
        %get3A_364 = arith.index_cast %add3A_333 : i32 to index
        %get3A_365 = arith.constant 48 : index
        %get3A_366 = tpu.vector_load %arg11[%get3A_363, %get3A_364, %get3A_365] {strides = array<i32>} : memref<4x80x64xf32, #tpu.memory_space<vmem>>, vector<16xf32>,
        %mul3A_367 = arith.mulf %get3A_366, %gather3A_335 : vector<16xf32>
        %swap3A_368 = arith.index_cast %select_n3A_80 : i32 to index
        %swap3A_369 = arith.index_cast %add3A_333 : i32 to index
        %swap3A_370 = arith.constant 48 : index
        %swap3A_371 = tpu.vector_load %arg11[%swap3A_368, %swap3A_369, %swap3A_370] {strides = array<i32>} : memref<4x80x64xf32, #tpu.memory_space<vmem>>, vector<16xf32>,
        tpu.vector_store %arg11[%swap3A_368, %swap3A_369, %swap3A_370], %mul3A_367 {strides = array<i32>} : memref<4x80x64xf32, #tpu.memory_space<vmem>>, vector<16xf32>,
        %mul3A_372 = arith.constant 8 : i32
        %mul3A_373 = arith.muli %scan3A_123, %mul3A_372 : i32
        %add3A_374 = arith.constant 6 : i32
        %add3A_375 = arith.addi %mul3A_373, %add3A_374 : i32
        %broadcast_in_dim3A_376 = vector.broadcast %add3A_375 : i32 to vector<16xi32>
        %gather3A_377 = tpu.vector_load_idx %arg10[%broadcast_in_dim3A, %broadcast_in_dim3A_376] : memref<250x80xf32, #tpu.memory_space<vmem>>[vector<16xi32>, vector<16xi32>], vector<16xf32>,
        %get3A_378 = arith.index_cast %select_n3A_80 : i32 to index
        %get3A_379 = arith.index_cast %add3A_375 : i32 to index
        %get3A_380 = arith.constant 0 : index
        %get3A_381 = tpu.vector_load %arg11[%get3A_378, %get3A_379, %get3A_380] {strides = array<i32>} : memref<4x80x64xf32, #tpu.memory_space<vmem>>, vector<16xf32>,
        %mul3A_382 = arith.mulf %get3A_381, %gather3A_377 : vector<16xf32>
        %swap3A_383 = arith.index_cast %select_n3A_80 : i32 to index
        %swap3A_384 = arith.index_cast %add3A_375 : i32 to index
        %swap3A_385 = arith.constant 0 : index
        %swap3A_386 = tpu.vector_load %arg11[%swap3A_383, %swap3A_384, %swap3A_385] {strides = array<i32>} : memref<4x80x64xf32, #tpu.memory_space<vmem>>, vector<16xf32>,
        tpu.vector_store %arg11[%swap3A_383, %swap3A_384, %swap3A_385], %mul3A_382 {strides = array<i32>} : memref<4x80x64xf32, #tpu.memory_space<vmem>>, vector<16xf32>,
        %get3A_387 = arith.index_cast %select_n3A_80 : i32 to index
        %get3A_388 = arith.index_cast %add3A_375 : i32 to index
        %get3A_389 = arith.constant 16 : index
        %get3A_390 = tpu.vector_load %arg11[%get3A_387, %get3A_388, %get3A_389] {strides = array<i32>} : memref<4x80x64xf32, #tpu.memory_space<vmem>>, vector<16xf32>,
        %mul3A_391 = arith.mulf %get3A_390, %gather3A_377 : vector<16xf32>
        %swap3A_392 = arith.index_cast %select_n3A_80 : i32 to index
        %swap3A_393 = arith.index_cast %add3A_375 : i32 to index
        %swap3A_394 = arith.constant 16 : index
        %swap3A_395 = tpu.vector_load %arg11[%swap3A_392, %swap3A_393, %swap3A_394] {strides = array<i32>} : memref<4x80x64xf32, #tpu.memory_space<vmem>>, vector<16xf32>,
        tpu.vector_store %arg11[%swap3A_392, %swap3A_393, %swap3A_394], %mul3A_391 {strides = array<i32>} : memref<4x80x64xf32, #tpu.memory_space<vmem>>, vector<16xf32>,
        %get3A_396 = arith.index_cast %select_n3A_80 : i32 to index
        %get3A_397 = arith.index_cast %add3A_375 : i32 to index
        %get3A_398 = arith.constant 32 : index
        %get3A_399 = tpu.vector_load %arg11[%get3A_396, %get3A_397, %get3A_398] {strides = array<i32>} : memref<4x80x64xf32, #tpu.memory_space<vmem>>, vector<16xf32>,
        %mul3A_400 = arith.mulf %get3A_399, %gather3A_377 : vector<16xf32>
        %swap3A_401 = arith.index_cast %select_n3A_80 : i32 to index
        %swap3A_402 = arith.index_cast %add3A_375 : i32 to index
        %swap3A_403 = arith.constant 32 : index
        %swap3A_404 = tpu.vector_load %arg11[%swap3A_401, %swap3A_402, %swap3A_403] {strides = array<i32>} : memref<4x80x64xf32, #tpu.memory_space<vmem>>, vector<16xf32>,
        tpu.vector_store %arg11[%swap3A_401, %swap3A_402, %swap3A_403], %mul3A_400 {strides = array<i32>} : memref<4x80x64xf32, #tpu.memory_space<vmem>>, vector<16xf32>,
        %get3A_405 = arith.index_cast %select_n3A_80 : i32 to index
        %get3A_406 = arith.index_cast %add3A_375 : i32 to index
        %get3A_407 = arith.constant 48 : index
        %get3A_408 = tpu.vector_load %arg11[%get3A_405, %get3A_406, %get3A_407] {strides = array<i32>} : memref<4x80x64xf32, #tpu.memory_space<vmem>>, vector<16xf32>,
        %mul3A_409 = arith.mulf %get3A_408, %gather3A_377 : vector<16xf32>
        %swap3A_410 = arith.index_cast %select_n3A_80 : i32 to index
        %swap3A_411 = arith.index_cast %add3A_375 : i32 to index
        %swap3A_412 = arith.constant 48 : index
        %swap3A_413 = tpu.vector_load %arg11[%swap3A_410, %swap3A_411, %swap3A_412] {strides = array<i32>} : memref<4x80x64xf32, #tpu.memory_space<vmem>>, vector<16xf32>,
        tpu.vector_store %arg11[%swap3A_410, %swap3A_411, %swap3A_412], %mul3A_409 {strides = array<i32>} : memref<4x80x64xf32, #tpu.memory_space<vmem>>, vector<16xf32>,
        %mul3A_414 = arith.constant 8 : i32
        %mul3A_415 = arith.muli %scan3A_123, %mul3A_414 : i32
        %add3A_416 = arith.constant 7 : i32
        %add3A_417 = arith.addi %mul3A_415, %add3A_416 : i32
        %broadcast_in_dim3A_418 = vector.broadcast %add3A_417 : i32 to vector<16xi32>
        %gather3A_419 = tpu.vector_load_idx %arg10[%broadcast_in_dim3A, %broadcast_in_dim3A_418] : memref<250x80xf32, #tpu.memory_space<vmem>>[vector<16xi32>, vector<16xi32>], vector<16xf32>,
        %get3A_420 = arith.index_cast %select_n3A_80 : i32 to index
        %get3A_421 = arith.index_cast %add3A_417 : i32 to index
        %get3A_422 = arith.constant 0 : index
        %get3A_423 = tpu.vector_load %arg11[%get3A_420, %get3A_421, %get3A_422] {strides = array<i32>} : memref<4x80x64xf32, #tpu.memory_space<vmem>>, vector<16xf32>,
        %mul3A_424 = arith.mulf %get3A_423, %gather3A_419 : vector<16xf32>
        %swap3A_425 = arith.index_cast %select_n3A_80 : i32 to index
        %swap3A_426 = arith.index_cast %add3A_417 : i32 to index
        %swap3A_427 = arith.constant 0 : index
        %swap3A_428 = tpu.vector_load %arg11[%swap3A_425, %swap3A_426, %swap3A_427] {strides = array<i32>} : memref<4x80x64xf32, #tpu.memory_space<vmem>>, vector<16xf32>,
        tpu.vector_store %arg11[%swap3A_425, %swap3A_426, %swap3A_427], %mul3A_424 {strides = array<i32>} : memref<4x80x64xf32, #tpu.memory_space<vmem>>, vector<16xf32>,
        %get3A_429 = arith.index_cast %select_n3A_80 : i32 to index
        %get3A_430 = arith.index_cast %add3A_417 : i32 to index
        %get3A_431 = arith.constant 16 : index
        %get3A_432 = tpu.vector_load %arg11[%get3A_429, %get3A_430, %get3A_431] {strides = array<i32>} : memref<4x80x64xf32, #tpu.memory_space<vmem>>, vector<16xf32>,
        %mul3A_433 = arith.mulf %get3A_432, %gather3A_419 : vector<16xf32>
        %swap3A_434 = arith.index_cast %select_n3A_80 : i32 to index
        %swap3A_435 = arith.index_cast %add3A_417 : i32 to index
        %swap3A_436 = arith.constant 16 : index
        %swap3A_437 = tpu.vector_load %arg11[%swap3A_434, %swap3A_435, %swap3A_436] {strides = array<i32>} : memref<4x80x64xf32, #tpu.memory_space<vmem>>, vector<16xf32>,
        tpu.vector_store %arg11[%swap3A_434, %swap3A_435, %swap3A_436], %mul3A_433 {strides = array<i32>} : memref<4x80x64xf32, #tpu.memory_space<vmem>>, vector<16xf32>,
        %get3A_438 = arith.index_cast %select_n3A_80 : i32 to index
        %get3A_439 = arith.index_cast %add3A_417 : i32 to index
        %get3A_440 = arith.constant 32 : index
        %get3A_441 = tpu.vector_load %arg11[%get3A_438, %get3A_439, %get3A_440] {strides = array<i32>} : memref<4x80x64xf32, #tpu.memory_space<vmem>>, vector<16xf32>,
        %mul3A_442 = arith.mulf %get3A_441, %gather3A_419 : vector<16xf32>
        %swap3A_443 = arith.index_cast %select_n3A_80 : i32 to index
        %swap3A_444 = arith.index_cast %add3A_417 : i32 to index
        %swap3A_445 = arith.constant 32 : index
        %swap3A_446 = tpu.vector_load %arg11[%swap3A_443, %swap3A_444, %swap3A_445] {strides = array<i32>} : memref<4x80x64xf32, #tpu.memory_space<vmem>>, vector<16xf32>,
        tpu.vector_store %arg11[%swap3A_443, %swap3A_444, %swap3A_445], %mul3A_442 {strides = array<i32>} : memref<4x80x64xf32, #tpu.memory_space<vmem>>, vector<16xf32>,
        %get3A_447 = arith.index_cast %select_n3A_80 : i32 to index
        %get3A_448 = arith.index_cast %add3A_417 : i32 to index
        %get3A_449 = arith.constant 48 : index
        %get3A_450 = tpu.vector_load %arg11[%get3A_447, %get3A_448, %get3A_449] {strides = array<i32>} : memref<4x80x64xf32, #tpu.memory_space<vmem>>, vector<16xf32>,
        %mul3A_451 = arith.mulf %get3A_450, %gather3A_419 : vector<16xf32>
        %swap3A_452 = arith.index_cast %select_n3A_80 : i32 to index
        %swap3A_453 = arith.index_cast %add3A_417 : i32 to index
        %swap3A_454 = arith.constant 48 : index
        %swap3A_455 = tpu.vector_load %arg11[%swap3A_452, %swap3A_453, %swap3A_454] {strides = array<i32>} : memref<4x80x64xf32, #tpu.memory_space<vmem>>, vector<16xf32>,
        tpu.vector_store %arg11[%swap3A_452, %swap3A_453, %swap3A_454], %mul3A_451 {strides = array<i32>} : memref<4x80x64xf32, #tpu.memory_space<vmem>>, vector<16xf32>,
      }
      %scan3A_100 = arith.constant 10 : i32
      %dma_start3A_101 = arith.constant 0 : i32
      %dma_start3A_102 = arith.constant 0 : i32
      %dma_start3A_103 = tpu.memref_slice %arg11[%select_n3A_80, %dma_start3A_101, %dma_start3A_102] : memref<4x80x64xf32, #tpu.memory_space<vmem>> -> memref<1x80x64xf32, #tpu.memory_space<vmem>>
      %dma_start3A_104 = tpu.memref_squeeze %dma_start3A_103 : memref<1x80x64xf32, #tpu.memory_space<vmem>> -> memref<80x64xf32, #tpu.memory_space<vmem>>
      %dma_start3A_105 = arith.constant 0 : i32
      %dma_start3A_106 = tpu.memref_slice %arg9[%scan3A_71, %dma_start3A_105] : memref<250x80xi32, #tpu.memory_space<vmem>> -> memref<1x80xi32, #tpu.memory_space<vmem>>
      %dma_start3A_107 = tpu.memref_squeeze %dma_start3A_106 : memref<1x80xi32, #tpu.memory_space<vmem>> -> memref<80xi32, #tpu.memory_space<vmem>>
      %dma_start3A_108 = arith.constant 0 : i32
      %dma_start3A_109 = arith.constant 0 : i32
      %dma_start3A_110 = tpu.memref_slice %arg12[%dma_start3A_108, %dma_start3A_109] : memref<10000x64xf32, #tpu.memory_space<vmem_shared>> -> memref<10000x64xf32, #tpu.memory_space<vmem_shared>>
      tpu.enqueue_indirect_dma source(%dma_start3A_104 : memref<80x64xf32, #tpu.memory_space<vmem>>) target(%dma_start3A_110 : memref<10000x64xf32, #tpu.memory_space<vmem_shared>>) offsets(%dma_start3A_107 : memref<80xi32, #tpu.memory_space<vmem>>) semaphore(%arg14 : memref<!tpu.dma_semaphore, #tpu.memory_space<semaphore_mem>>) {add = true}
      %ge3A = arith.constant 1 : i32
      %ge3A_111 = arith.cmpi sge, %scan3A_71, %ge3A : i32
      %convert_element_type3A_112 = arith.extui %ge3A_111 : i1 to i32
      %cond3A_113 = arith.constant 0 : i32
      %cond3A_114 = arith.cmpi ne, %convert_element_type3A_112, %cond3A_113 : i32
      scf.if %cond3A_114 {
        %sub3A_123 = arith.constant 1 : i32
        %sub3A_124 = arith.subi %scan3A_71, %sub3A_123 : i32
        %jit3A_125 = arith.constant 4 : i32
        %eq3A_126 = arith.constant 0 : i32
        %eq3A_127 = arith.cmpi eq, %jit3A_125, %eq3A_126 : i32
        %jit3A_128 = arith.constant 1 : i32
        %select_n3A_129 = arith.select %eq3A_127, %jit3A_128, %jit3A_125 : i32
        %rem3A_130 = arith.remsi %sub3A_124, %select_n3A_129 : i32
        %ne3A_131 = arith.constant 0 : i32
        %ne3A_132 = arith.cmpi ne, %rem3A_130, %ne3A_131 : i32
        %lt3A_133 = arith.constant 0 : i32
        %lt3A_134 = arith.cmpi slt, %rem3A_130, %lt3A_133 : i32
        %lt3A_135 = arith.constant 0 : i32
        %lt3A_136 = arith.cmpi slt, %select_n3A_129, %lt3A_135 : i32
        %ne3A_137 = arith.xori %lt3A_134, %lt3A_136 : i1
        %and3A_138 = arith.andi %ne3A_137, %ne3A_132 : i1
        %add3A_139 = arith.addi %rem3A_130, %select_n3A_129 : i32
        %select_n3A_140 = arith.select %and3A_138, %add3A_139, %rem3A_130 : i32
        %sub3A_141 = arith.constant 1 : i32
        %sub3A_142 = arith.subi %scan3A_71, %sub3A_141 : i32
        %dma_wait3A_143 = arith.constant 0 : i32
        %dma_wait3A_144 = arith.constant 0 : i32
        %dma_wait3A_145 = tpu.memref_slice %arg11[%select_n3A_140, %dma_wait3A_143, %dma_wait3A_144] : memref<4x80x64xf32, #tpu.memory_space<vmem>> -> memref<1x80x64xf32, #tpu.memory_space<vmem>>
        %dma_wait3A_146 = tpu.memref_squeeze %dma_wait3A_145 : memref<1x80x64xf32, #tpu.memory_space<vmem>> -> memref<80x64xf32, #tpu.memory_space<vmem>>
        %dma_wait3A_147 = arith.constant 0 : i32
        %dma_wait3A_148 = tpu.memref_slice %arg9[%sub3A_142, %dma_wait3A_147] : memref<250x80xi32, #tpu.memory_space<vmem>> -> memref<1x80xi32, #tpu.memory_space<vmem>>
        %dma_wait3A_149 = tpu.memref_squeeze %dma_wait3A_148 : memref<1x80xi32, #tpu.memory_space<vmem>> -> memref<80xi32, #tpu.memory_space<vmem>>
        %dma_wait3A_150 = arith.constant 0 : i32
        %dma_wait3A_151 = arith.constant 0 : i32
        %dma_wait3A_152 = tpu.memref_slice %arg12[%dma_wait3A_150, %dma_wait3A_151] : memref<10000x64xf32, #tpu.memory_space<vmem_shared>> -> memref<10000x64xf32, #tpu.memory_space<vmem_shared>>
        tpu.wait_indirect_dma semaphore(%arg14 : memref<!tpu.dma_semaphore, #tpu.memory_space<semaphore_mem>>) src(%dma_wait3A_146 : memref<80x64xf32, #tpu.memory_space<vmem>>) dst(%dma_wait3A_152 : memref<10000x64xf32, #tpu.memory_space<vmem_shared>>)
      } else {
      }
      %add3A_115 = arith.constant 4 : i32
      %add3A_116 = arith.addi %scan3A_71, %add3A_115 : i32
      %sub3A = arith.constant 1 : i32
      %sub3A_117 = arith.subi %add3A_116, %sub3A : i32
      %lt3A_118 = arith.constant 250 : i32
      %lt3A_119 = arith.cmpi slt, %sub3A_117, %lt3A_118 : i32
      %convert_element_type3A_120 = arith.extui %lt3A_119 : i1 to i32
      %cond3A_121 = arith.constant 0 : i32
      %cond3A_122 = arith.cmpi ne, %convert_element_type3A_120, %cond3A_121 : i32
      scf.if %cond3A_122 {
        %add3A_123 = arith.constant 4 : i32
        %add3A_124 = arith.addi %scan3A_71, %add3A_123 : i32
        %sub3A_125 = arith.constant 1 : i32
        %sub3A_126 = arith.subi %add3A_124, %sub3A_125 : i32
        %jit3A_127 = arith.constant 4 : i32
        %eq3A_128 = arith.constant 0 : i32
        %eq3A_129 = arith.cmpi eq, %jit3A_127, %eq3A_128 : i32
        %jit3A_130 = arith.constant 1 : i32
        %select_n3A_131 = arith.select %eq3A_129, %jit3A_130, %jit3A_127 : i32
        %rem3A_132 = arith.remsi %sub3A_126, %select_n3A_131 : i32
        %ne3A_133 = arith.constant 0 : i32
        %ne3A_134 = arith.cmpi ne, %rem3A_132, %ne3A_133 : i32
        %lt3A_135 = arith.constant 0 : i32
        %lt3A_136 = arith.cmpi slt, %rem3A_132, %lt3A_135 : i32
        %lt3A_137 = arith.constant 0 : i32
        %lt3A_138 = arith.cmpi slt, %select_n3A_131, %lt3A_137 : i32
        %ne3A_139 = arith.xori %lt3A_136, %lt3A_138 : i1
        %and3A_140 = arith.andi %ne3A_139, %ne3A_134 : i1
        %add3A_141 = arith.addi %rem3A_132, %select_n3A_131 : i32
        %select_n3A_142 = arith.select %and3A_140, %add3A_141, %rem3A_132 : i32
        %add3A_143 = arith.constant 4 : i32
        %add3A_144 = arith.addi %scan3A_71, %add3A_143 : i32
        %sub3A_145 = arith.constant 1 : i32
        %sub3A_146 = arith.subi %add3A_144, %sub3A_145 : i32
        %dma_start3A_147 = arith.constant 0 : i32
        %dma_start3A_148 = arith.constant 0 : i32
        %dma_start3A_149 = tpu.memref_slice %arg11[%select_n3A_142, %dma_start3A_147, %dma_start3A_148] : memref<4x80x64xf32, #tpu.memory_space<vmem>> -> memref<1x80x64xf32, #tpu.memory_space<vmem>>
        %dma_start3A_150 = tpu.memref_squeeze %dma_start3A_149 : memref<1x80x64xf32, #tpu.memory_space<vmem>> -> memref<80x64xf32, #tpu.memory_space<vmem>>
        %dma_start3A_151 = arith.constant 0 : i32
        %dma_start3A_152 = tpu.memref_slice %arg8[%sub3A_146, %dma_start3A_151] : memref<250x80xi32, #tpu.memory_space<vmem>> -> memref<1x80xi32, #tpu.memory_space<vmem>>
        %dma_start3A_153 = tpu.memref_squeeze %dma_start3A_152 : memref<1x80xi32, #tpu.memory_space<vmem>> -> memref<80xi32, #tpu.memory_space<vmem>>
        %dma_start3A_154 = arith.constant 0 : i32
        %dma_start3A_155 = arith.constant 0 : i32
        %dma_start3A_156 = tpu.memref_slice %arg5[%arg0, %dma_start3A_154, %dma_start3A_155] : memref<2x10000x64xf32, #tpu.memory_space<hbm>> -> memref<1x10000x64xf32, #tpu.memory_space<hbm>>
        %dma_start3A_157 = tpu.memref_squeeze %dma_start3A_156 : memref<1x10000x64xf32, #tpu.memory_space<hbm>> -> memref<10000x64xf32, #tpu.memory_space<hbm>>
        %dma_start3A_158 = arith.constant 0 : i32
        %dma_start3A_159 = arith.constant 0 : i32
        %dma_start3A_160 = tpu.memref_slice %dma_start3A_157[%dma_start3A_158, %dma_start3A_159] : memref<10000x64xf32, #tpu.memory_space<hbm>> -> memref<10000x64xf32, #tpu.memory_space<hbm>>
        tpu.enqueue_indirect_dma source(%dma_start3A_160 : memref<10000x64xf32, #tpu.memory_space<hbm>>) target(%dma_start3A_150 : memref<80x64xf32, #tpu.memory_space<vmem>>) offsets(%dma_start3A_153 : memref<80xi32, #tpu.memory_space<vmem>>) semaphore(%arg13 : memref<!tpu.dma_semaphore, #tpu.memory_space<semaphore_mem>>)
      } else {
      }
    }
    %scan3A_53 = arith.constant 250 : i32
    %dma_wait3A = arith.constant 1 : i32
    %dma_wait3A_54 = arith.constant 249 : i32
    %dma_wait3A_55 = arith.constant 0 : i32
    %dma_wait3A_56 = arith.constant 0 : i32
    %dma_wait3A_57 = tpu.memref_slice %arg11[%dma_wait3A, %dma_wait3A_55, %dma_wait3A_56] : memref<4x80x64xf32, #tpu.memory_space<vmem>> -> memref<1x80x64xf32, #tpu.memory_space<vmem>>
    %dma_wait3A_58 = tpu.memref_squeeze %dma_wait3A_57 : memref<1x80x64xf32, #tpu.memory_space<vmem>> -> memref<80x64xf32, #tpu.memory_space<vmem>>
    %dma_wait3A_59 = arith.constant 0 : i32
    %dma_wait3A_60 = tpu.memref_slice %arg9[%dma_wait3A_54, %dma_wait3A_59] : memref<250x80xi32, #tpu.memory_space<vmem>> -> memref<1x80xi32, #tpu.memory_space<vmem>>
    %dma_wait3A_61 = tpu.memref_squeeze %dma_wait3A_60 : memref<1x80xi32, #tpu.memory_space<vmem>> -> memref<80xi32, #tpu.memory_space<vmem>>
    %dma_wait3A_62 = arith.constant 0 : i32
    %dma_wait3A_63 = arith.constant 0 : i32
    %dma_wait3A_64 = tpu.memref_slice %arg12[%dma_wait3A_62, %dma_wait3A_63] : memref<10000x64xf32, #tpu.memory_space<vmem_shared>> -> memref<10000x64xf32, #tpu.memory_space<vmem_shared>>
    tpu.wait_indirect_dma semaphore(%arg14 : memref<!tpu.dma_semaphore, #tpu.memory_space<semaphore_mem>>) src(%dma_wait3A_58 : memref<80x64xf32, #tpu.memory_space<vmem>>) dst(%dma_wait3A_64 : memref<10000x64xf32, #tpu.memory_space<vmem_shared>>)
    %barrier3A_65 = arith.constant 0 : index
    tpu.barrier barrier_id(%barrier3A_65)
    %eq3A_66 = arith.constant 0 : i32
    %eq3A_67 = arith.cmpi eq, %arg1, %eq3A_66 : i32
    %convert_element_type3A_68 = arith.extui %eq3A_67 : i1 to i32
    %cond3A_69 = arith.constant 0 : i32
    %cond3A_70 = arith.cmpi ne, %convert_element_type3A_68, %cond3A_69 : i32
    scf.if %cond3A_70 {
      "tpu.region"() ({
        %run_scoped3A = tpu.sem_alloc : memref<!tpu.dma_semaphore, #tpu.memory_space<semaphore_mem>>
        %dma_start3A_71 = arith.constant 0 : i32
        %dma_start3A_72 = arith.constant 0 : i32
        %dma_start3A_73 = tpu.memref_slice %arg7[%arg0, %dma_start3A_71, %dma_start3A_72] : memref<2x10000x64xf32, #tpu.memory_space<hbm>> -> memref<1x10000x64xf32, #tpu.memory_space<hbm>>
        %dma_start3A_74 = tpu.memref_squeeze %dma_start3A_73 : memref<1x10000x64xf32, #tpu.memory_space<hbm>> -> memref<10000x64xf32, #tpu.memory_space<hbm>>
        tpu.enqueue_dma source(%arg12 : memref<10000x64xf32, #tpu.memory_space<vmem_shared>>) target(%dma_start3A_74 : memref<10000x64xf32, #tpu.memory_space<hbm>>) target_semaphore(%run_scoped3A : memref<!tpu.dma_semaphore, #tpu.memory_space<semaphore_mem>>)
        %dma_wait3A_75 = arith.constant 0 : i32
        %dma_wait3A_76 = arith.constant 0 : i32
        %dma_wait3A_77 = tpu.memref_slice %arg7[%arg0, %dma_wait3A_75, %dma_wait3A_76] : memref<2x10000x64xf32, #tpu.memory_space<hbm>> -> memref<1x10000x64xf32, #tpu.memory_space<hbm>>
        %dma_wait3A_78 = tpu.memref_squeeze %dma_wait3A_77 : memref<1x10000x64xf32, #tpu.memory_space<hbm>> -> memref<10000x64xf32, #tpu.memory_space<hbm>>
        tpu.wait_dma2 semaphore(%run_scoped3A : memref<!tpu.dma_semaphore, #tpu.memory_space<semaphore_mem>>) src(%arg12 : memref<10000x64xf32, #tpu.memory_space<vmem_shared>>) dst(%dma_wait3A_78 : memref<10000x64xf32, #tpu.memory_space<hbm>>)
        tpu.yield
      }) : () -> ()
    } else {
    }
    return
  }
}

#map = affine_map<(d0, d1) -> (0, 0, 0)>
#map1 = affine_map<(d0, d1) -> (0)>
#map2 = affine_map<(d0, d1) -> (0, 0)>
module attributes {stable_mosaic.version = 14 : i64} {
  func.func @deg_kernel(%arg0: i32, %arg1: i32, %arg2: memref<32x125x80xi32, #tpu.memory_space<hbm>>, %arg3: memref<32x125x80xf32, #tpu.memory_space<hbm>>, %arg4: memref<10000xf32, #tpu.memory_space<hbm>>, %arg5: memref<2x10000xf32, #tpu.memory_space<hbm>>, %arg6: memref<125x80xi32, #tpu.memory_space<vmem>>, %arg7: memref<125x80xf32, #tpu.memory_space<vmem>>, %arg8: memref<10000xf32, #tpu.memory_space<vmem_shared>>, %arg9: memref<!tpu.dma_semaphore, #tpu.memory_space<semaphore_mem>>) attributes {dimension_semantics = [#tpu.dimension_semantics<core_parallel>, #tpu.dimension_semantics<subcore_parallel>], iteration_bounds = array<i64: 2, 16>, scalar_prefetch = 0 : i64, scratch_operands = 4 : i64, tpu.core_type = #tpu.core_type<sc_vector_subcore>, window_params = [{transform_indices = #map}, {transform_indices = #map}, {transform_indices = #map1}, {transform_indices = #map2}]} {
    %mul3A = arith.constant 2 : i32
    %mul3A_0 = arith.muli %arg1, %mul3A : i32
    %add3A = arith.addi %mul3A_0, %arg0 : i32
    "tpu.region"() ({
      %run_scoped3A = tpu.sem_alloc : memref<!tpu.dma_semaphore, #tpu.memory_space<semaphore_mem>>
      %dma_start3A = arith.constant 0 : i32
      %dma_start3A_20 = arith.constant 0 : i32
      %dma_start3A_21 = tpu.memref_slice %arg2[%add3A, %dma_start3A, %dma_start3A_20] : memref<32x125x80xi32, #tpu.memory_space<hbm>> -> memref<1x125x80xi32, #tpu.memory_space<hbm>>
      %dma_start3A_22 = tpu.memref_squeeze %dma_start3A_21 : memref<1x125x80xi32, #tpu.memory_space<hbm>> -> memref<125x80xi32, #tpu.memory_space<hbm>>
      %dma_start3A_23 = arith.constant 0 : i32
      %dma_start3A_24 = arith.constant 0 : i32
      %dma_start3A_25 = tpu.memref_slice %arg2[%add3A, %dma_start3A_23, %dma_start3A_24] : memref<32x125x80xi32, #tpu.memory_space<hbm>> -> memref<1x125x80xi32, #tpu.memory_space<hbm>>
      %dma_start3A_26 = tpu.memref_squeeze %dma_start3A_25 : memref<1x125x80xi32, #tpu.memory_space<hbm>> -> memref<125x80xi32, #tpu.memory_space<hbm>>
      tpu.enqueue_dma source(%dma_start3A_26 : memref<125x80xi32, #tpu.memory_space<hbm>>) target(%arg6 : memref<125x80xi32, #tpu.memory_space<vmem>>) target_semaphore(%run_scoped3A : memref<!tpu.dma_semaphore, #tpu.memory_space<semaphore_mem>>)
      %dma_wait3A = arith.constant 0 : i32
      %dma_wait3A_27 = arith.constant 0 : i32
      %dma_wait3A_28 = tpu.memref_slice %arg2[%add3A, %dma_wait3A, %dma_wait3A_27] : memref<32x125x80xi32, #tpu.memory_space<hbm>> -> memref<1x125x80xi32, #tpu.memory_space<hbm>>
      %dma_wait3A_29 = tpu.memref_squeeze %dma_wait3A_28 : memref<1x125x80xi32, #tpu.memory_space<hbm>> -> memref<125x80xi32, #tpu.memory_space<hbm>>
      %dma_wait3A_30 = arith.constant 0 : i32
      %dma_wait3A_31 = arith.constant 0 : i32
      %dma_wait3A_32 = tpu.memref_slice %arg2[%add3A, %dma_wait3A_30, %dma_wait3A_31] : memref<32x125x80xi32, #tpu.memory_space<hbm>> -> memref<1x125x80xi32, #tpu.memory_space<hbm>>
      %dma_wait3A_33 = tpu.memref_squeeze %dma_wait3A_32 : memref<1x125x80xi32, #tpu.memory_space<hbm>> -> memref<125x80xi32, #tpu.memory_space<hbm>>
      tpu.wait_dma2 semaphore(%run_scoped3A : memref<!tpu.dma_semaphore, #tpu.memory_space<semaphore_mem>>) src(%dma_wait3A_33 : memref<125x80xi32, #tpu.memory_space<hbm>>) dst(%arg6 : memref<125x80xi32, #tpu.memory_space<vmem>>)
      tpu.yield
    }) : () -> ()
    "tpu.region"() ({
      %run_scoped3A = tpu.sem_alloc : memref<!tpu.dma_semaphore, #tpu.memory_space<semaphore_mem>>
      %dma_start3A = arith.constant 0 : i32
      %dma_start3A_20 = arith.constant 0 : i32
      %dma_start3A_21 = tpu.memref_slice %arg3[%add3A, %dma_start3A, %dma_start3A_20] : memref<32x125x80xf32, #tpu.memory_space<hbm>> -> memref<1x125x80xf32, #tpu.memory_space<hbm>>
      %dma_start3A_22 = tpu.memref_squeeze %dma_start3A_21 : memref<1x125x80xf32, #tpu.memory_space<hbm>> -> memref<125x80xf32, #tpu.memory_space<hbm>>
      %dma_start3A_23 = arith.constant 0 : i32
      %dma_start3A_24 = arith.constant 0 : i32
      %dma_start3A_25 = tpu.memref_slice %arg3[%add3A, %dma_start3A_23, %dma_start3A_24] : memref<32x125x80xf32, #tpu.memory_space<hbm>> -> memref<1x125x80xf32, #tpu.memory_space<hbm>>
      %dma_start3A_26 = tpu.memref_squeeze %dma_start3A_25 : memref<1x125x80xf32, #tpu.memory_space<hbm>> -> memref<125x80xf32, #tpu.memory_space<hbm>>
      tpu.enqueue_dma source(%dma_start3A_26 : memref<125x80xf32, #tpu.memory_space<hbm>>) target(%arg7 : memref<125x80xf32, #tpu.memory_space<vmem>>) target_semaphore(%run_scoped3A : memref<!tpu.dma_semaphore, #tpu.memory_space<semaphore_mem>>)
      %dma_wait3A = arith.constant 0 : i32
      %dma_wait3A_27 = arith.constant 0 : i32
      %dma_wait3A_28 = tpu.memref_slice %arg3[%add3A, %dma_wait3A, %dma_wait3A_27] : memref<32x125x80xf32, #tpu.memory_space<hbm>> -> memref<1x125x80xf32, #tpu.memory_space<hbm>>
      %dma_wait3A_29 = tpu.memref_squeeze %dma_wait3A_28 : memref<1x125x80xf32, #tpu.memory_space<hbm>> -> memref<125x80xf32, #tpu.memory_space<hbm>>
      %dma_wait3A_30 = arith.constant 0 : i32
      %dma_wait3A_31 = arith.constant 0 : i32
      %dma_wait3A_32 = tpu.memref_slice %arg3[%add3A, %dma_wait3A_30, %dma_wait3A_31] : memref<32x125x80xf32, #tpu.memory_space<hbm>> -> memref<1x125x80xf32, #tpu.memory_space<hbm>>
      %dma_wait3A_33 = tpu.memref_squeeze %dma_wait3A_32 : memref<1x125x80xf32, #tpu.memory_space<hbm>> -> memref<125x80xf32, #tpu.memory_space<hbm>>
      tpu.wait_dma2 semaphore(%run_scoped3A : memref<!tpu.dma_semaphore, #tpu.memory_space<semaphore_mem>>) src(%dma_wait3A_33 : memref<125x80xf32, #tpu.memory_space<hbm>>) dst(%arg7 : memref<125x80xf32, #tpu.memory_space<vmem>>)
      tpu.yield
    }) : () -> ()
    %eq3A = arith.constant 0 : i32
    %eq3A_1 = arith.cmpi eq, %arg1, %eq3A : i32
    %convert_element_type3A = arith.extui %eq3A_1 : i1 to i32
    %cond3A = arith.constant 0 : i32
    %cond3A_2 = arith.cmpi ne, %convert_element_type3A, %cond3A : i32
    scf.if %cond3A_2 {
      "tpu.region"() ({
        %run_scoped3A = tpu.sem_alloc : memref<!tpu.dma_semaphore, #tpu.memory_space<semaphore_mem>>
        tpu.enqueue_dma source(%arg4 : memref<10000xf32, #tpu.memory_space<hbm>>) target(%arg8 : memref<10000xf32, #tpu.memory_space<vmem_shared>>) target_semaphore(%run_scoped3A : memref<!tpu.dma_semaphore, #tpu.memory_space<semaphore_mem>>)
        tpu.wait_dma2 semaphore(%run_scoped3A : memref<!tpu.dma_semaphore, #tpu.memory_space<semaphore_mem>>) src(%arg4 : memref<10000xf32, #tpu.memory_space<hbm>>) dst(%arg8 : memref<10000xf32, #tpu.memory_space<vmem_shared>>)
        tpu.yield
      }) : () -> ()
    } else {
    }
    %barrier3A = arith.constant 0 : index
    tpu.barrier barrier_id(%barrier3A)
    %scan3A = arith.constant 0 : i32
    %scan3A_3 = arith.constant 0 : i32
    %scan3A_4 = arith.constant 125 : i32
    %scan3A_5 = arith.addi %scan3A_3, %scan3A_4 : i32
    %scan3A_6 = arith.constant 1 : i32
    scf.for %scan3A_20 = %scan3A_3 to %scan3A_5 step %scan3A_6  : i32 {
      %dma_start3A = arith.constant 0 : i32
      %dma_start3A_21 = tpu.memref_slice %arg7[%scan3A_20, %dma_start3A] : memref<125x80xf32, #tpu.memory_space<vmem>> -> memref<1x80xf32, #tpu.memory_space<vmem>>
      %dma_start3A_22 = tpu.memref_squeeze %dma_start3A_21 : memref<1x80xf32, #tpu.memory_space<vmem>> -> memref<80xf32, #tpu.memory_space<vmem>>
      %dma_start3A_23 = arith.constant 0 : i32
      %dma_start3A_24 = tpu.memref_slice %arg6[%scan3A_20, %dma_start3A_23] : memref<125x80xi32, #tpu.memory_space<vmem>> -> memref<1x80xi32, #tpu.memory_space<vmem>>
      %dma_start3A_25 = tpu.memref_squeeze %dma_start3A_24 : memref<1x80xi32, #tpu.memory_space<vmem>> -> memref<80xi32, #tpu.memory_space<vmem>>
      %dma_start3A_26 = arith.constant 0 : i32
      %dma_start3A_27 = tpu.memref_slice %arg8[%dma_start3A_26] : memref<10000xf32, #tpu.memory_space<vmem_shared>> -> memref<10000xf32, #tpu.memory_space<vmem_shared>>
      tpu.enqueue_indirect_dma source(%dma_start3A_22 : memref<80xf32, #tpu.memory_space<vmem>>) target(%dma_start3A_27 : memref<10000xf32, #tpu.memory_space<vmem_shared>>) offsets(%dma_start3A_25 : memref<80xi32, #tpu.memory_space<vmem>>) semaphore(%arg9 : memref<!tpu.dma_semaphore, #tpu.memory_space<semaphore_mem>>) {add = true}
    }
    %scan3A_7 = arith.constant 125 : i32
    %scan3A_8 = arith.constant 0 : i32
    %scan3A_9 = arith.constant 0 : i32
    %scan3A_10 = arith.constant 125 : i32
    %scan3A_11 = arith.addi %scan3A_9, %scan3A_10 : i32
    %scan3A_12 = arith.constant 1 : i32
    scf.for %scan3A_20 = %scan3A_9 to %scan3A_11 step %scan3A_12  : i32 {
      %dma_wait3A = arith.constant 0 : i32
      %dma_wait3A_21 = tpu.memref_slice %arg7[%scan3A_20, %dma_wait3A] : memref<125x80xf32, #tpu.memory_space<vmem>> -> memref<1x80xf32, #tpu.memory_space<vmem>>
      %dma_wait3A_22 = tpu.memref_squeeze %dma_wait3A_21 : memref<1x80xf32, #tpu.memory_space<vmem>> -> memref<80xf32, #tpu.memory_space<vmem>>
      %dma_wait3A_23 = arith.constant 0 : i32
      %dma_wait3A_24 = tpu.memref_slice %arg6[%scan3A_20, %dma_wait3A_23] : memref<125x80xi32, #tpu.memory_space<vmem>> -> memref<1x80xi32, #tpu.memory_space<vmem>>
      %dma_wait3A_25 = tpu.memref_squeeze %dma_wait3A_24 : memref<1x80xi32, #tpu.memory_space<vmem>> -> memref<80xi32, #tpu.memory_space<vmem>>
      %dma_wait3A_26 = arith.constant 0 : i32
      %dma_wait3A_27 = tpu.memref_slice %arg8[%dma_wait3A_26] : memref<10000xf32, #tpu.memory_space<vmem_shared>> -> memref<10000xf32, #tpu.memory_space<vmem_shared>>
      tpu.wait_indirect_dma semaphore(%arg9 : memref<!tpu.dma_semaphore, #tpu.memory_space<semaphore_mem>>) src(%dma_wait3A_22 : memref<80xf32, #tpu.memory_space<vmem>>) dst(%dma_wait3A_27 : memref<10000xf32, #tpu.memory_space<vmem_shared>>)
    }
    %scan3A_13 = arith.constant 125 : i32
    %barrier3A_14 = arith.constant 0 : index
    tpu.barrier barrier_id(%barrier3A_14)
    %eq3A_15 = arith.constant 0 : i32
    %eq3A_16 = arith.cmpi eq, %arg1, %eq3A_15 : i32
    %convert_element_type3A_17 = arith.extui %eq3A_16 : i1 to i32
    %cond3A_18 = arith.constant 0 : i32
    %cond3A_19 = arith.cmpi ne, %convert_element_type3A_17, %cond3A_18 : i32
    scf.if %cond3A_19 {
      "tpu.region"() ({
        %run_scoped3A = tpu.sem_alloc : memref<!tpu.dma_semaphore, #tpu.memory_space<semaphore_mem>>
        %dma_start3A = arith.constant 0 : i32
        %dma_start3A_20 = tpu.memref_slice %arg5[%arg0, %dma_start3A] : memref<2x10000xf32, #tpu.memory_space<hbm>> -> memref<1x10000xf32, #tpu.memory_space<hbm>>
        %dma_start3A_21 = tpu.memref_squeeze %dma_start3A_20 : memref<1x10000xf32, #tpu.memory_space<hbm>> -> memref<10000xf32, #tpu.memory_space<hbm>>
        tpu.enqueue_dma source(%arg8 : memref<10000xf32, #tpu.memory_space<vmem_shared>>) target(%dma_start3A_21 : memref<10000xf32, #tpu.memory_space<hbm>>) target_semaphore(%run_scoped3A : memref<!tpu.dma_semaphore, #tpu.memory_space<semaphore_mem>>)
        %dma_wait3A = arith.constant 0 : i32
        %dma_wait3A_22 = tpu.memref_slice %arg5[%arg0, %dma_wait3A] : memref<2x10000xf32, #tpu.memory_space<hbm>> -> memref<1x10000xf32, #tpu.memory_space<hbm>>
        %dma_wait3A_23 = tpu.memref_squeeze %dma_wait3A_22 : memref<1x10000xf32, #tpu.memory_space<hbm>> -> memref<10000xf32, #tpu.memory_space<hbm>>
        tpu.wait_dma2 semaphore(%run_scoped3A : memref<!tpu.dma_semaphore, #tpu.memory_space<semaphore_mem>>) src(%arg8 : memref<10000xf32, #tpu.memory_space<vmem_shared>>) dst(%dma_wait3A_23 : memref<10000xf32, #tpu.memory_space<hbm>>)
        tpu.yield
      }) : () -> ()
    } else {
    }
    return
  }
}

module attributes {stable_mosaic.version = 14 : i64} {
  func.func @_tc_renorm(%arg0: memref<10000x128xf32, #tpu.memory_space<vmem>>, %arg1: memref<10000x2xf32, #tpu.memory_space<vmem>>, %arg2: memref<2x10000x64xf32, #tpu.memory_space<vmem>>, %arg3: memref<10000x1xf32, #tpu.memory_space<vmem>>) attributes {dimension_semantics = [], scalar_prefetch = 0 : i64, scratch_operands = 0 : i64, tpu.core_type = #tpu.core_type<tc>} {
    %get3A = arith.constant 0 : index
    %get3A_0 = arith.constant 0 : index
    %get3A_1 = vector.load %arg0[%get3A, %get3A_0] : memref<10000x128xf32, #tpu.memory_space<vmem>>, vector<10000x128xf32>
    %mul3A = arith.mulf %get3A_1, %get3A_1 : vector<10000x128xf32>
    %reduce_sum3A = arith.constant dense<0.000000e+00> : vector<10000xf32>
    %reduce_sum3A_2 = vector.multi_reduction <add>, %mul3A, %reduce_sum3A [1] : vector<10000x128xf32> to vector<10000xf32>
    %broadcast_in_dim3A = vector.shape_cast %reduce_sum3A_2 : vector<10000xf32> to vector<10000x1xf32>
    %sqrt3A = math.sqrt %broadcast_in_dim3A : vector<10000x1xf32>
    %max3A = arith.constant 1.000000e-07 : f32
    %max3A_3 = vector.broadcast %max3A : f32 to vector<10000x1xf32>
    %max3A_4 = arith.maximumf %sqrt3A, %max3A_3 : vector<10000x1xf32>
    %div3A = arith.constant 1.000000e+00 : f32
    %div3A_5 = vector.broadcast %div3A : f32 to vector<10000x1xf32>
    %div3A_6 = arith.divf %div3A_5, %max3A_4 : vector<10000x1xf32>
    %min3A = arith.constant 1.000000e+00 : f32
    %min3A_7 = vector.broadcast %min3A : f32 to vector<10000x1xf32>
    %min3A_8 = arith.minimumf %min3A_7, %div3A_6 : vector<10000x1xf32>
    %get3A_9 = arith.constant 0 : index
    %get3A_10 = arith.constant 0 : index
    %get3A_11 = vector.load %arg1[%get3A_9, %get3A_10] : memref<10000x2xf32, #tpu.memory_space<vmem>>, vector<10000x2xf32>
    %slice3A = vector.extract_strided_slice %get3A_11 {offsets = [0, 0], sizes = [10000, 1], strides = [1, 1]} : vector<10000x2xf32> to vector<10000x1xf32>
    %slice3A_12 = vector.extract_strided_slice %get3A_11 {offsets = [0, 1], sizes = [10000, 1], strides = [1, 1]} : vector<10000x2xf32> to vector<10000x1xf32>
    %add3A = arith.addf %slice3A, %slice3A_12 : vector<10000x1xf32>
    %gt3A = arith.constant 0.000000e+00 : f32
    %gt3A_13 = vector.broadcast %gt3A : f32 to vector<10000x1xf32>
    %gt3A_14 = arith.cmpf ogt, %add3A, %gt3A_13 : vector<10000x1xf32>
    %max3A_15 = arith.constant 9.99999996E-13 : f32
    %max3A_16 = vector.broadcast %max3A_15 : f32 to vector<10000x1xf32>
    %max3A_17 = arith.maximumf %add3A, %max3A_16 : vector<10000x1xf32>
    %rsqrt3A = math.rsqrt %max3A_17 : vector<10000x1xf32>
    %jit3A = arith.constant 0.000000e+00 : f32
    %broadcast_in_dim3A_18 = vector.broadcast %jit3A : f32 to vector<10000x1xf32>
    %select_n3A = arith.select %gt3A_14, %rsqrt3A, %broadcast_in_dim3A_18 : vector<10000x1xi1>, vector<10000x1xf32>
    %swap3A = arith.constant 0 : index
    %swap3A_19 = arith.constant 0 : index
    %swap3A_20 = vector.load %arg3[%swap3A, %swap3A_19] : memref<10000x1xf32, #tpu.memory_space<vmem>>, vector<10000x1xf32>
    tpu.vector_store %arg3[%swap3A, %swap3A_19], %select_n3A {strides = array<i32>} : memref<10000x1xf32, #tpu.memory_space<vmem>>, vector<10000x1xf32>,
    %mul3A_21 = arith.mulf %min3A_8, %select_n3A : vector<10000x1xf32>
    %mul3A_22 = vector.broadcast %mul3A_21 : vector<10000x1xf32> to vector<10000x128xf32>
    %mul3A_23 = arith.mulf %get3A_1, %mul3A_22 : vector<10000x128xf32>
    %slice3A_24 = vector.extract_strided_slice %mul3A_23 {offsets = [0, 0], sizes = [10000, 64], strides = [1, 1]} : vector<10000x128xf32> to vector<10000x64xf32>
    %swap3A_25 = arith.constant 0 : index
    %swap3A_26 = arith.constant 0 : index
    %swap3A_27 = arith.constant 0 : index
    %swap3A_28 = vector.load %arg2[%swap3A_25, %swap3A_26, %swap3A_27] : memref<2x10000x64xf32, #tpu.memory_space<vmem>>, vector<1x10000x64xf32>
    %swap3A_29 = vector.shape_cast %swap3A_28 : vector<1x10000x64xf32> to vector<10000x64xf32>
    %swap3A_30 = vector.shape_cast %slice3A_24 : vector<10000x64xf32> to vector<1x10000x64xf32>
    tpu.vector_store %arg2[%swap3A_25, %swap3A_26, %swap3A_27], %swap3A_30 {strides = array<i32>} : memref<2x10000x64xf32, #tpu.memory_space<vmem>>, vector<1x10000x64xf32>,
    %slice3A_31 = vector.extract_strided_slice %mul3A_23 {offsets = [0, 64], sizes = [10000, 64], strides = [1, 1]} : vector<10000x128xf32> to vector<10000x64xf32>
    %swap3A_32 = arith.constant 1 : index
    %swap3A_33 = arith.constant 0 : index
    %swap3A_34 = arith.constant 0 : index
    %swap3A_35 = vector.load %arg2[%swap3A_32, %swap3A_33, %swap3A_34] : memref<2x10000x64xf32, #tpu.memory_space<vmem>>, vector<1x10000x64xf32>
    %swap3A_36 = vector.shape_cast %swap3A_35 : vector<1x10000x64xf32> to vector<10000x64xf32>
    %swap3A_37 = vector.shape_cast %slice3A_31 : vector<10000x64xf32> to vector<1x10000x64xf32>
    tpu.vector_store %arg2[%swap3A_32, %swap3A_33, %swap3A_34], %swap3A_37 {strides = array<i32>} : memref<2x10000x64xf32, #tpu.memory_space<vmem>>, vector<1x10000x64xf32>,
    return
  }
}

module attributes {stable_mosaic.version = 14 : i64} {
  func.func @_tc_final(%arg0: i32, %arg1: memref<2x400x64xf32, #tpu.memory_space<vmem>>, %arg2: memref<400x1xf32, #tpu.memory_space<vmem>>, %arg3: memref<128x128xf32, #tpu.memory_space<vmem>>, %arg4: memref<1x128xf32, #tpu.memory_space<vmem>>, %arg5: memref<400x128xf32, #tpu.memory_space<vmem>>) attributes {dimension_semantics = [#tpu.dimension_semantics<arbitrary>], iteration_bounds = array<i64: 25>, scalar_prefetch = 0 : i64, scratch_operands = 0 : i64, tpu.core_type = #tpu.core_type<tc>, window_params = [{transform_indices = @transform_0, window_bounds = array<i64: 2, 400, 64>}, {transform_indices = @transform_1, window_bounds = array<i64: 400, 1>}, {pipeline_mode = #tpu.pipeline_mode<synchronous>, transform_indices = @transform_2, window_bounds = array<i64: 128, 128>}, {pipeline_mode = #tpu.pipeline_mode<synchronous>, transform_indices = @transform_3, window_bounds = array<i64: 1, 128>}, {transform_indices = @transform_4, window_bounds = array<i64: 400, 128>}]} {
    %get3A = arith.constant 0 : index
    %get3A_0 = arith.constant 0 : index
    %get3A_1 = arith.constant 0 : index
    %get3A_2 = vector.load %arg1[%get3A, %get3A_0, %get3A_1] : memref<2x400x64xf32, #tpu.memory_space<vmem>>, vector<1x400x64xf32>
    %get3A_3 = vector.shape_cast %get3A_2 : vector<1x400x64xf32> to vector<400x64xf32>
    %get3A_4 = arith.constant 1 : index
    %get3A_5 = arith.constant 0 : index
    %get3A_6 = arith.constant 0 : index
    %get3A_7 = vector.load %arg1[%get3A_4, %get3A_5, %get3A_6] : memref<2x400x64xf32, #tpu.memory_space<vmem>>, vector<1x400x64xf32>
    %get3A_8 = vector.shape_cast %get3A_7 : vector<1x400x64xf32> to vector<400x64xf32>
    %concatenate3A = tpu.concatenate %get3A_3, %get3A_8 in 1 : vector<400x64xf32>, vector<400x64xf32> -> vector<400x128xf32>
    %get3A_9 = arith.constant 0 : index
    %get3A_10 = arith.constant 0 : index
    %get3A_11 = vector.load %arg2[%get3A_9, %get3A_10] : memref<400x1xf32, #tpu.memory_space<vmem>>, vector<400x1xf32>
    %mul3A = vector.broadcast %get3A_11 : vector<400x1xf32> to vector<400x128xf32>
    %mul3A_12 = arith.mulf %concatenate3A, %mul3A : vector<400x128xf32>
    %get3A_13 = arith.constant 0 : index
    %get3A_14 = arith.constant 0 : index
    %get3A_15 = vector.load %arg3[%get3A_13, %get3A_14] : memref<128x128xf32, #tpu.memory_space<vmem>>, vector<128x128xf32>
    %dot_general3A = arith.constant dense<0.000000e+00> : vector<400x128xf32>
    %dot_general3A_16 = tpu.matmul %mul3A_12, %get3A_15, %dot_general3A {dimension_numbers = #tpu.dot_dimension_numbers<[1], [0], [0], [1], [0, 0, 1, 1], [], []>, transpose_lhs_hint = false} : vector<400x128xf32>, vector<128x128xf32>, vector<400x128xf32> -> vector<400x128xf32>
    %get3A_17 = arith.constant 0 : index
    %get3A_18 = arith.constant 0 : index
    %get3A_19 = vector.load %arg4[%get3A_17, %get3A_18] : memref<1x128xf32, #tpu.memory_space<vmem>>, vector<1x128xf32>
    %add3A = vector.broadcast %get3A_19 : vector<1x128xf32> to vector<400x128xf32>
    %add3A_20 = arith.addf %dot_general3A_16, %add3A : vector<400x128xf32>
    %swap3A = arith.constant 0 : index
    %swap3A_21 = arith.constant 0 : index
    %swap3A_22 = vector.load %arg5[%swap3A, %swap3A_21] : memref<400x128xf32, #tpu.memory_space<vmem>>, vector<400x128xf32>
    tpu.vector_store %arg5[%swap3A, %swap3A_21], %add3A_20 {strides = array<i32>} : memref<400x128xf32, #tpu.memory_space<vmem>>, vector<400x128xf32>,
    return
  }
  func.func @transform_0(%arg0: i32) -> (i32, i32, i32) {
    %c0_i32 = arith.constant 0 : i32
    %c0_i32_0 = arith.constant 0 : i32
    %c0_i32_1 = arith.constant 0 : i32
    return %c0_i32, %arg0, %c0_i32_0 : i32, i32, i32
  }
  func.func @transform_1(%arg0: i32) -> (i32, i32) {
    %c0_i32 = arith.constant 0 : i32
    %c0_i32_0 = arith.constant 0 : i32
    return %arg0, %c0_i32 : i32, i32
  }
  func.func @transform_2(%arg0: i32) -> (i32, i32) {
    %c0_i32 = arith.constant 0 : i32
    %c0_i32_0 = arith.constant 0 : i32
    %c0_i32_1 = arith.constant 0 : i32
    return %c0_i32, %c0_i32_0 : i32, i32
  }
  func.func @transform_3(%arg0: i32) -> (i32, i32) {
    %c0_i32 = arith.constant 0 : i32
    %c0_i32_0 = arith.constant 0 : i32
    %c0_i32_1 = arith.constant 0 : i32
    return %c0_i32, %c0_i32_0 : i32, i32
  }
  func.func @transform_4(%arg0: i32) -> (i32, i32) {
    %c0_i32 = arith.constant 0 : i32
    %c0_i32_0 = arith.constant 0 : i32
    return %arg0, %c0_i32 : i32, i32
  }
}

</mosaic_0001>

<sc_bundles>
// kernel: kernel.6.cloned.1.call-start
scs
__scs_entry_jumppad:
0x0: {  	(pc) =	sbr.rel $0x88, $3  }
0x1: {  	(tag) =	ssettag $0x0;
	lr =	simm.s32 $0x1  }
0x2: {  	[smem:$0x3F9C] =	sst lr;
	_ =	strace $0xD0000000  }
0x3: {  	_ = 	snop  }
0x4: {  	_ = 	snop  }
0x5: {  	_ = 	snop  }
0x6: {  	_ = 	snop  }
0x7: {  	_ = 	snop  }
__scs_overlays_trampoline_lowered:
0x8: {  	[smem:$0x3FAB] =	sst s0  }
0x9: {  	[smem:$0x3FAC] =	sst s1  }
0xa: {  	[smem:$0x3FAD] =	sst s2  }
0xb: {  	[smem:$0x3FAE] =	sst s3  }
0xc: {  	[smem:$0x3FAF] =	sst s4  }
0xd: {  	[smem:$0x3FB0] =	sst s5  }
0xe: {  	[smem:$0x3FB1] =	sst s6  }
0xf: {  	[smem:$0x3FB2] =	sst s7  }
0x10: {  	[smem:$0x3FB3] =	sst s8  }
0x11: {  	[smem:$0x3FB4] =	sst s9;
	s0 =	simm.s32 @!p0 $0x0  }
0x12: {  	s1 =	sld [smem:$0x3F9A];
	s0 =	simm.s32 @p0 $0x1  }
0x13: {  	[smem:$0x3FB5] =	sst s0;
	s0 =	simm.s32 @!p1 $0x0  }
0x14: {  	s2 =	sld [smem:$0x3F99];
	s0 =	simm.s32 @p1 $0x1  }
0x15: {  	[smem:$0x3FB6] =	sst s0;
	s0 =	simm.s32 @!p2 $0x0  }
0x16: {  	s3 =	sld [smem:$0x3FDB];
	s0 =	simm.s32 @p2 $0x1  }
0x17: {  	s4 =	simm.s32 $0x1BF5;
	[smem:$0x3FB8] =	sst s0  }
0x18: {  	s0 =	sld [smem:$0x3F9B];
	_ =	swait.ge [sflag:s4], $0x0  }
0x19: {  	s7 =	sld [smem:$0x3F9C]  }
0x1a: {  	s8 =	sadd.s32 $0xFFFFE003, lr  }
0x1b: {  	s9 =	sadd.s32 $0xFFFFFEF7, lr;
	s5 =	simm.s32 $0xFFFFFFFF;
	p2 =	slt.u32 s8, $0xFFFFF086  }
0x1c: {  	p1 =	slt.u32 s9, $0xF7A;
	s5 =	simm.s32 @!p2 $0x0  }
0x1d: {  	s5 =	simm.s32 @p1 $0x1;
	p0 =	seq.s32 s7, s2  }
0x1e: {  	s7 =	smul.u32 @!p0 $0xF7A, s2;
	p2 =	seq.s32 @!p0 s5, $0x0  }
0x1f: {  	s9 =	smul.u32 $0xF7A, s1;
	s8 =	simm.s32 @!p0 $0x1BF5;
	p2 =	por !p2, p0  }
0x20: {  	[sflag:s8] =	ssyncset.s32 @!p0 $0xFFFFF086;
	s6 =	sadd.s32 @!p0 s3, s7;
	s7 =	simm.s32 @!p0 $0x108  }
0x21: {  	s3 =	sadd.s32 s3, s9;
	s6 =	sadd.s32 @!p0 $0x88, s6;
	s7 =	simm.s32 @p2 $0x1082  }
0x22: {  	[simem:s7], [sflag:s8] =	dma.local @!p0 [hbm:s6], $0xF7A  }
0x23: {  	s9 =	sor.u32 $0xD0000000, s2;
	s6 =	simm.s32 $0x108;
	_ =	swait.ge @!p0 [sflag:s8], $0x0  }
0x24: {  	s3 =	sadd.s32 $0x88, s3;
	s6 =	simm.s32 @!p1 $0x1082;
	[sflag:s4] =	ssyncset.s32 $0xFFFFF086  }
0x25: {  	[simem:s6], [sflag:s4] =	dma.local [hbm:s3], $0xF7A  }
0x26: {  	[smem:$0x3F9C] =	sst s1;
	(tag) =	ssettag s2;
	_ =	strace s9  }
0x27: {  	s1 =	sld [smem:$0x3FAC]  }
0x28: {  	s2 =	sld [smem:$0x3FAD]  }
0x29: {  	s4 =	sld [smem:$0x3FAF]  }
0x2a: {  	p0 =	seq.s32 s5, $0x0;
	s5 =	sld [smem:$0x3FB0]  }
0x2b: {  	s6 =	sld [smem:$0x3FB1]  }
0x2c: {  	s7 =	sld [smem:$0x3FB2]  }
0x2d: {  	s3 =	simm.s32 $0x108;
	s8 =	sld [smem:$0x3FB3]  }
0x2e: {  	s3 =	simm.s32 @!p0 $0x1082;
	s9 =	sld [smem:$0x3FB4]  }
0x2f: {  	lr =	sadd.s32 s0, s3;
	s0 =	sld [smem:$0x3FAB]  }
0x30: {  	s3 =	sld [smem:$0x3FAE]  }
0x31: {  	[smem:$0x3FB7] =	sst s10  }
0x32: {  	s10 =	sld [smem:$0x3FB5];
	_ =	sdelay $0x3  }
0x33: {  	p0 =	seq.s32 s10, $0x1;
	s10 =	sld [smem:$0x3FB7];
	_ =	sdelay $0x3  }
0x34: {  	[smem:$0x3FB7] =	sst s10  }
0x35: {  	s10 =	sld [smem:$0x3FB6];
	_ =	sdelay $0x3  }
0x36: {  	p1 =	seq.s32 s10, $0x1;
	s10 =	sld [smem:$0x3FB7];
	_ =	sdelay $0x3  }
0x37: {  	[smem:$0x3FB7] =	sst s10  }
0x38: {  	s10 =	sld [smem:$0x3FB8]  }
0x39: {  	_ = 	snop;
	(pc) =	sbr.ind lr, $3  }
0x3a: {  	_ = 	snop  }
0x3b: {  	_ = 	snop  }
0x3c: {  	p2 =	seq.s32 s10, $0x1;
	s10 =	sld [smem:$0x3FB7]  }
0x3d: {  	_ =	shalt  }
0x3e: {  	_ =	shalt  }
0x3f: {  	_ =	shalt  }
0x40: {  	_ =	shalt  }
0x41: {  	_ =	shalt  }
0x42: {  	_ =	shalt  }
0x43: {  	_ =	shalt  }
0x44: {  	_ =	shalt  }
0x45: {  	_ =	shalt  }
0x46: {  	_ =	shalt  }
0x47: {  	_ =	shalt  }
0x48: {  	_ =	shalt  }
0x49: {  	_ =	shalt  }
0x4a: {  	_ =	shalt  }
0x4b: {  	_ =	shalt  }
0x4c: {  	_ =	shalt  }
0x4d: {  	_ =	shalt  }
0x4e: {  	_ =	shalt  }
0x4f: {  	_ =	shalt  }
0x50: {  	_ =	shalt  }
0x51: {  	_ =	shalt  }
0x52: {  	_ =	shalt  }
0x53: {  	_ =	shalt  }
0x54: {  	_ =	shalt  }
0x55: {  	_ =	shalt  }
0x56: {  	_ =	shalt  }
0x57: {  	_ =	shalt  }
0x58: {  	_ =	shalt  }
0x59: {  	_ =	shalt  }
0x5a: {  	_ =	shalt  }
0x5b: {  	_ =	shalt  }
0x5c: {  	_ =	shalt  }
0x5d: {  	_ =	shalt  }
0x5e: {  	_ =	shalt  }
0x5f: {  	_ =	shalt  }
0x60: {  	_ =	shalt  }
0x61: {  	_ =	shalt  }
0x62: {  	_ =	shalt  }
0x63: {  	_ =	shalt  }
0x64: {  	_ =	shalt  }
0x65: {  	_ =	shalt  }
0x66: {  	_ =	shalt  }
0x67: {  	_ =	shalt  }
0x68: {  	_ =	shalt  }
0x69: {  	_ =	shalt  }
0x6a: {  	_ =	shalt  }
0x6b: {  	_ =	shalt  }
0x6c: {  	_ =	shalt  }
0x6d: {  	_ =	shalt  }
0x6e: {  	_ =	shalt  }
0x6f: {  	_ =	shalt  }
0x70: {  	_ =	shalt  }
0x71: {  	_ =	shalt  }
0x72: {  	_ =	shalt  }
0x73: {  	_ =	shalt  }
0x74: {  	_ =	shalt  }
0x75: {  	_ =	shalt  }
0x76: {  	_ =	shalt  }
0x77: {  	_ =	shalt  }
0x78: {  	_ =	shalt  }
0x79: {  	_ =	shalt  }
0x7a: {  	_ =	shalt  }
0x7b: {  	_ =	shalt  }
0x7c: {  	_ =	shalt  }
0x7d: {  	_ =	shalt  }
0x7e: {  	_ =	shalt  }
0x7f: {  	_ =	shalt  }
0x80: {  	_ =	shalt  }
0x81: {  	_ =	shalt  }
0x82: {  	_ =	shalt  }
0x83: {  	_ =	shalt  }
0x84: {  	_ =	shalt  }
0x85: {  	_ =	shalt  }
0x86: {  	_ =	shalt  }
0x87: {  	_ =	shalt  }
.Lfunc_end0:
.L_simem_size_0:
called_computation_lowered:
.L_overlay_start_0:
0x88: {  	s2 =	sld [smem:$0x3FD9]  }
0x89: {  	s3 =	sld [smem:$0x3FFE];
	_ =	sdelay $0x1  }
0x8a: {  	s1 =	srdreg.scid  }
0x8b: {  	s0 =	sand.u32 $0x1, s1  }
0x8c: {  	s17 =	sshll.u32 s0, $0xA;
	s2 =	sadd.s32 s3, s2  }
0x8d: {  	s2 =	sadd.s32 s2, s17  }
0x8e: {  	[smem:$0x3FC3] =	sst s2  }
0x8f: {  	_ = 	snop  }
0x90: {  	s2 =	sld [smem:$0x3FD0];
	(tm) =	ssettm $0x1  }
0x91: {  	s18 =	sld [smem:$0x3FFB];
	_ =	sdelay $0x3  }
0x92: {  	_ =	strace s18  }
0x93: {  	s3 =	sld [smem:$0x3FFC];
	_ =	sdelay $0x3  }
0x94: {  	_ =	strace s3  }
0x95: {  	s3 =	sld [smem:$0x3FFD];
	_ =	sdelay $0x3  }
0x96: {  	_ =	strace s3  }
0x97: {  	_ =	strace $0x8FFFFFFF  }
0x98: {  	s19 =	sld [smem:$0x3FDB];
	_ =	sdelay $0x1  }
0x99: {  	s4 =	simm.s32 $_scs_section_size  }
0x9a: {  	s5 =	simm.s32 $_size__tile_overlayer_lowered;
	s6 =	simm.s32 $_tile_overlayer_lowered  }
0x9b: {  	s22 =	simm.s32 $0x1BFF;
	s21 =	sshll.u32 s6, $0x1;
	s3 =	sadd.s32 s4, s19  }
0x9c: {  	s7 =	simm.s32 $0x0;
	s20 =	sshll.u32 s5, $0x1;
	s5 =	sadd.s32 s21, s3  }
0x9d: {  	[timem:s7], [sflag:s22] =	dma.local [hbm:s5], s20  }
0x9e: {  	_ =	swait.ge [sflag:s22], s20  }
0x9f: {  	s4 =	ssub.s32 $0x0, s20;
	[sflag:s22] =	ssyncset.done $0x0  }
0xa0: {  	[sflag:s22] =	ssyncadd.s32 s4;
	_ =	sdelay $0x1  }
0xa1: {  	s23 =	simm.s32 $0x1B8B  }
0xa2: {  	_ =	swait.ge [sflag:s23], $0x1  }
0xa3: {  	[sflag:s23] =	ssyncset.done $0x0  }
0xa4: {  	s25 =	simm.s32 $0x1B8E;
	s24 =	sld [smem:$0x3FFE];
	[sflag:s23] =	ssyncadd.s32 $0xFFFFFFFF  }
0xa5: {  	s26 =	simm.s32 $execute0_lowered;
	[smem:$0x3FD2] =	sst s25  }
0xa6: {  	s5 =	sshll.u32 s26, $0x1;
	_ =	strace $0x80000046;
	[dreg:$0x1] =	wrdreg $0xFFFFFFFF  }
0xa7: {  	s28 =	simm.s32 $_size_execute0_lowered;
	s3 =	sadd.s32 s3, s5;
	[dreg:$0x0] =	wrdreg $0x0  }
0xa8: {  	s5 =	sshll.u32 s28, $0x1;
	[dreg:$0x2] =	wrdreg s3  }
0xa9: {  	[dreg:$0x3] =	wrdreg s5  }
0xaa: {  	[dreg:$0x4] =	wrdreg $0xC0  }
0xab: {  	_ =	task [dreg:s7], $0x5FFFF  }
0xac: {  	[dreg:$0x1] =	wrdreg $0xFFFFFFFF  }
0xad: {  	[dreg:$0x0] =	wrdreg $0x60  }
0xae: {  	[dreg:$0x2] =	wrdreg s2  }
0xaf: {  	[dreg:$0x3] =	wrdreg s24  }
0xb0: {  	[dreg:$0x4] =	wrdreg $0x80000  }
0xb1: {  	[dreg:$0x5] =	wrdreg $0x9  }
0xb2: {  	_ =	task.clear_ibuf [dreg:s7], $0x6FFFF;
	_ =	strace $0x90000046  }
0xb3: {  	s29 =	simm.s32 $0x9;
	_ =	strace $0x80000048  }
0xb4: {  	_ =	swait.ge [sflag:s29], $0x1  }
0xb5: {  	[sflag:s29] =	ssyncadd.s32 $0xFFFFFFFF  }
0xb6: {  	_ =	strace $0x90000048  }
0xb7: {  	_ =	sfence  }
0xb8: {  	s30 =	sld [smem:$0x0];
	_ =	sdelay $0x2  }
0xb9: {  	s31 =	sshll.u32 s1, $0xD;
	s1 =	sshrl.u32 s1, $0x2  }
0xba: {  	s3 =	sand.u32 $0x4000, s31;
	s1 =	sadd.s32 s1, s30  }
0xbb: {  	s0 =	sor.u32 s3, s0;
	s1 =	sshll.u32 s1, $0x11  }
0xbc: {  	s0 =	sor.u32 s1, s0  }
0xbd: {  	s0 =	sadd.s32 $0x8F2B, s0  }
0xbe: {  	[sflag:s0] =	ssyncadd.remote.s32 $0x1  }
0xbf: {  	_ =	sfence.sel $0xFFFF  }
0xc0: {  	[dreg:$0x0] =	wrdreg $0xFFFFFFFF;
	(pc) =	sbr.abs _section_cstart, $3  }
0xc1: {  	[dreg:$0x1] =	wrdreg $0xFFFFFFFF  }
0xc2: {  	_ =	task.clear_ibuf [dreg:s7], $0x2FFFF;
	_ =	strace $0x9FFFFFFF  }
0xc3: {  	(tm) =	ssettm $0x7FFFFFFF  }
tec
execute0_lowered:
.L_overlay_start_1:
0x0: {  	(tag) =	ssettag $0x1  }
0x1: {  	s4 =	rddreg [dreg:$0x0]  }
0x2: {  	s5 =	rddreg [dreg:$0x1]  }
0x3: {  	s1 =	rddreg [dreg:$0x2]  }
0x4: {  	s0 =	rddreg [dreg:$0x3]  }
0x5: {  	s3 =	srdreg.scid;
	s2 =	simm.s32 $0x0;
	s8 =	stileid.u32  }
0x6: {  	s11 =	simm.s32 $0x50;
	s12 =	simm.s32 $0x1;
	s13 =	simm.s32 $0x0  }
0x7: {  	s3 =	sand.u32 $0x1, s3;
	[smem:$0x7FF] =	sst s2;
	s6 =	sshll.u32 s8, $0xC  }
0x8: {  	p0 =	sne.s32 s8, $0x0;
	s8 =	simm.s32 $0x2;
	s7 =	sshll.u32 s3, $0xB  }
0x9: {  	_ =	strace $0x80000047;
	s9 =	sshll.u32 s3, $0x4;
	s10 =	ssub.s32 $0x2, s3  }
0xa: {  	s3 =	sadd.s32 $0x24E00, s5;
	s6 =	sor.u32 s7, s6;
	s31 =	sshrl.u32 s10, $0x1  }
0xb: {  	s9 =	sadd.s32 s9, s5;
	s7 =	sadd.s32 s6, s5;
	s10 =	ssub.s32 s10, s31  }
0xc: {  	s4 =	sadd.s32 s4, s6;
	s6 =	sadd.s32 $0x25400, s9;
	s9 =	simm.s32 $0x4000  }
0xd: {  	s5 =	sadd.s32 $0x14E00, s7;
	s7 =	smax.u32 s10, $0x1;
	s10 =	sshrl.u32 @!p0 s1, $0x3  }
.LBB2_1:
0xe: {  	[tilespmem:s2], [sflag:$0x2] =	stream.linear.gather [hbm4b:s4+s2], $0x3E80, $0x38;
	[tilespmem:$0x8278] =	vst v63  }
0xf: {  	_ =	swait.ge [sflag:s8], $0x3E80  }
0x10: {  	[sflag:s8] =	ssyncset.done $0x0  }
0x11: {  	[sflag:s8] =	ssyncadd.s32 $0xFFFFC180  }
0x12: {  	[tilespmem:s9], [sflag:$0x2] =	stream.linear.gather [hbm4b:s5+s2], $0x3E80, $0x38;
	[tilespmem:$0x8278] =	vst v63  }
0x13: {  	_ =	swait.ge [sflag:s8], $0x3E80  }
0x14: {  	[sflag:s8] =	ssyncset.done $0x0  }
0x15: {  	s14 =	simm.s32 @!p0 $0x1C02;
	[sflag:s8] =	ssyncadd.s32 $0xFFFFC180  }
0x16: {  	[spmem:s10], [sflag:s14] =	dma.local @!p0 [hbm:s3], $0x4F0  }
0x17: {  	s14 =	simm.s32 @!p0 $0x2  }
0x18: {  	_ =	swait.ge @!p0 [sflag:s14], $0x4F0  }
0x19: {  	[sflag:s14] =	ssyncset.done @!p0 $0x0  }
0x1a: {  	[sflag:s14] =	ssyncadd.s32 @!p0 $0xFFFFFB10  }
0x1b: {  	s14 =	simm.s32 $0x0;
	[bflag:$0x0] =	sbarrier.arrive $0xFFFF  }
.LBB2_2:
0x1c: {  	p1 =	sne.s32 s14, $0xF800  }
.Ltmp0:
0x1d: {  	_ = 	snop;
	(pc) =	sbr.rel @p1 .LBB2_2-.Ltmp0, $4  }
0x1e: {  	_ = 	snop  }
0x1f: {  	s15 =	sshra.s32 s14, $0x2  }
0x20: {  	s14 =	sadd.s32 $0x200, s14;
	s16 =	sadd.s32 $0x4000, s15  }
0x21: {  	[spmem:s1] =	stream.indirect.scatter.add.f32 [tilespmem:s16], [sflag:$0x1], $0x1, s15, s11, $0xb8;
	[tilespmem:$0x8278] =	vst v63  }
0x22: {  	_ =	swait.ge [sflag:s12], $0x50  }
0x23: {  	s14 =	simm.s32 $0x7C;
	[sflag:s12] =	ssyncset.done $0x0  }
.LBB2_4:
0x24: {  	p1 =	sne.s32 s14, $0x1;
	s14 =	sadd.s32 $0xFFFFFFFF, s14;
	[sflag:s12] =	ssyncadd.s32 $0xFFFFFFB0  }
.Ltmp1:
0x25: {  	(pc) =	sbr.rel @p1 .LBB2_4-.Ltmp1, $3  }
0x26: {  	_ =	sdelay $0x1  }
0x27: {  	_ =	swait.ge [sflag:s12], $0x50  }
0x28: {  	[sflag:s12] =	ssyncset.done $0x0  }
0x29: {  	[sflag:s12] =	ssyncadd.s32 $0xFFFFFFB0;
	s14 =	simm.s32 @!p0 $0x1  }
0x2a: {  	s15 =	simm.s32 @!p0 $0x20;
	s16 =	simm.s32 @!p0 $0x10;
	s13 =	sadd.s32 $0x1, s13  }
0x2b: {  	s17 =	simm.s32 @!p0 $0x1C02;
	[bflag:$0x0] =	sbarrier.arrive $0xFFFF;
	p1 =	sne.s32 s13, s7  }
0x2c: {  	[hbm:s6@s15], [sflag:s17] =	dma.strided @!p0 [spmem:s10@s16], $0x4F0, s14, $0x10   }
.Ltmp2:
0x2d: {  	_ = 	snop;
	(pc) =	sbr.rel @p1 .LBB2_1-.Ltmp2, $4  }
0x2e: {  	s14 =	simm.s32 @!p0 $0x2  }
0x2f: {  	_ =	swait.ge @!p0 [sflag:s14], $0x4F0  }
0x30: {  	[sflag:s14] =	ssyncset.done @!p0 $0x0  }
0x31: {  	[sflag:s14] =	ssyncadd.s32 @!p0 $0xFFFFFB10  }
0x32: {  	_ =	sfence.sel $0x180000  }
0x33: {  	[bflag:$0x0] =	sbarrier.arrive $0xFFFF  }
0x34: {  	_ =	strace $0x90000047  }
0x35: {  	s0 =	sadd.s32 @!p0 $0x100000, s0;
	[bflag:$0x2] =	sbarrier.arrive $0xFFFF  }
0x36: {  	[sflag:s0] =	ssyncadd.tile.s32 @!p0 $0x1;
	_ =	shalt  }
.Lfunc_end2:
_tile_overlayer_lowered:
.L_overlay_start_2:
0x37: {  	(tag) =	ssettag $0x2  }
0x38: {  	s0 =	rddreg [dreg:$0x0];
	s2 =	stileid.u32  }
0x39: {  	s1 =	rddreg [dreg:$0x1];
	p0 =	sne.s32 s2, $0x0  }
0x3a: {  	s3 =	rddreg [dreg:$0x2];
	[bflag:$0x3] =	sbarrier.arrive $0xFFFF;
	s2 =	simm.s32 @!p0 $0x1C02  }
0x3b: {  	[timem:s3], [sflag:s2] =	dma.local @!p0 [hbm:s0], s1  }
0x3c: {  	s0 =	simm.s32 @!p0 $0x2  }
0x3d: {  	_ =	swait.ge @!p0 [sflag:s0], s1  }
0x3e: {  	s1 =	ssub.s32 @!p0 $0x0, s1;
	[sflag:s0] =	ssyncset.done @!p0 $0x0  }
0x3f: {  	[sflag:s0] =	ssyncadd.s32 @!p0 s1  }
0x40: {  	[bflag:$0x3] =	sbarrier.arrive $0xFFFF  }
0x41: {  	_ =	shalt  }

// kernel: kernel.9.cloned.1.call-start
scs
__scs_entry_jumppad:
0x0: {  	(pc) =	sbr.rel $0x88, $3  }
0x1: {  	(tag) =	ssettag $0x0;
	lr =	simm.s32 $0x1  }
0x2: {  	[smem:$0x3F9C] =	sst lr;
	_ =	strace $0xD0000000  }
0x3: {  	_ = 	snop  }
0x4: {  	_ = 	snop  }
0x5: {  	_ = 	snop  }
0x6: {  	_ = 	snop  }
0x7: {  	_ = 	snop  }
__scs_overlays_trampoline_lowered:
0x8: {  	[smem:$0x3FAB] =	sst s0  }
0x9: {  	[smem:$0x3FAC] =	sst s1  }
0xa: {  	[smem:$0x3FAD] =	sst s2  }
0xb: {  	[smem:$0x3FAE] =	sst s3  }
0xc: {  	[smem:$0x3FAF] =	sst s4  }
0xd: {  	[smem:$0x3FB0] =	sst s5  }
0xe: {  	[smem:$0x3FB1] =	sst s6  }
0xf: {  	[smem:$0x3FB2] =	sst s7  }
0x10: {  	[smem:$0x3FB3] =	sst s8  }
0x11: {  	[smem:$0x3FB4] =	sst s9;
	s0 =	simm.s32 @!p0 $0x0  }
0x12: {  	s1 =	sld [smem:$0x3F9A];
	s0 =	simm.s32 @p0 $0x1  }
0x13: {  	[smem:$0x3FB5] =	sst s0;
	s0 =	simm.s32 @!p1 $0x0  }
0x14: {  	s2 =	sld [smem:$0x3F99];
	s0 =	simm.s32 @p1 $0x1  }
0x15: {  	[smem:$0x3FB6] =	sst s0;
	s0 =	simm.s32 @!p2 $0x0  }
0x16: {  	s3 =	sld [smem:$0x3FDB];
	s0 =	simm.s32 @p2 $0x1  }
0x17: {  	s4 =	simm.s32 $0x1BF5;
	[smem:$0x3FB8] =	sst s0  }
0x18: {  	s0 =	sld [smem:$0x3F9B];
	_ =	swait.ge [sflag:s4], $0x0  }
0x19: {  	s7 =	sld [smem:$0x3F9C]  }
0x1a: {  	s8 =	sadd.s32 $0xFFFFE003, lr  }
0x1b: {  	s9 =	sadd.s32 $0xFFFFFEF7, lr;
	s5 =	simm.s32 $0xFFFFFFFF;
	p2 =	slt.u32 s8, $0xFFFFF086  }
0x1c: {  	p1 =	slt.u32 s9, $0xF7A;
	s5 =	simm.s32 @!p2 $0x0  }
0x1d: {  	s5 =	simm.s32 @p1 $0x1;
	p0 =	seq.s32 s7, s2  }
0x1e: {  	s7 =	smul.u32 @!p0 $0xF7A, s2;
	p2 =	seq.s32 @!p0 s5, $0x0  }
0x1f: {  	s9 =	smul.u32 $0xF7A, s1;
	s8 =	simm.s32 @!p0 $0x1BF5;
	p2 =	por !p2, p0  }
0x20: {  	[sflag:s8] =	ssyncset.s32 @!p0 $0xFFFFF086;
	s6 =	sadd.s32 @!p0 s3, s7;
	s7 =	simm.s32 @!p0 $0x108  }
0x21: {  	s3 =	sadd.s32 s3, s9;
	s6 =	sadd.s32 @!p0 $0x88, s6;
	s7 =	simm.s32 @p2 $0x1082  }
0x22: {  	[simem:s7], [sflag:s8] =	dma.local @!p0 [hbm:s6], $0xF7A  }
0x23: {  	s9 =	sor.u32 $0xD0000000, s2;
	s6 =	simm.s32 $0x108;
	_ =	swait.ge @!p0 [sflag:s8], $0x0  }
0x24: {  	s3 =	sadd.s32 $0x88, s3;
	s6 =	simm.s32 @!p1 $0x1082;
	[sflag:s4] =	ssyncset.s32 $0xFFFFF086  }
0x25: {  	[simem:s6], [sflag:s4] =	dma.local [hbm:s3], $0xF7A  }
0x26: {  	[smem:$0x3F9C] =	sst s1;
	(tag) =	ssettag s2;
	_ =	strace s9  }
0x27: {  	s1 =	sld [smem:$0x3FAC]  }
0x28: {  	s2 =	sld [smem:$0x3FAD]  }
0x29: {  	s4 =	sld [smem:$0x3FAF]  }
0x2a: {  	p0 =	seq.s32 s5, $0x0;
	s5 =	sld [smem:$0x3FB0]  }
0x2b: {  	s6 =	sld [smem:$0x3FB1]  }
0x2c: {  	s7 =	sld [smem:$0x3FB2]  }
0x2d: {  	s3 =	simm.s32 $0x108;
	s8 =	sld [smem:$0x3FB3]  }
0x2e: {  	s3 =	simm.s32 @!p0 $0x1082;
	s9 =	sld [smem:$0x3FB4]  }
0x2f: {  	lr =	sadd.s32 s0, s3;
	s0 =	sld [smem:$0x3FAB]  }
0x30: {  	s3 =	sld [smem:$0x3FAE]  }
0x31: {  	[smem:$0x3FB7] =	sst s10  }
0x32: {  	s10 =	sld [smem:$0x3FB5];
	_ =	sdelay $0x3  }
0x33: {  	p0 =	seq.s32 s10, $0x1;
	s10 =	sld [smem:$0x3FB7];
	_ =	sdelay $0x3  }
0x34: {  	[smem:$0x3FB7] =	sst s10  }
0x35: {  	s10 =	sld [smem:$0x3FB6];
	_ =	sdelay $0x3  }
0x36: {  	p1 =	seq.s32 s10, $0x1;
	s10 =	sld [smem:$0x3FB7];
	_ =	sdelay $0x3  }
0x37: {  	[smem:$0x3FB7] =	sst s10  }
0x38: {  	s10 =	sld [smem:$0x3FB8]  }
0x39: {  	_ = 	snop;
	(pc) =	sbr.ind lr, $3  }
0x3a: {  	_ = 	snop  }
0x3b: {  	_ = 	snop  }
0x3c: {  	p2 =	seq.s32 s10, $0x1;
	s10 =	sld [smem:$0x3FB7]  }
0x3d: {  	_ =	shalt  }
0x3e: {  	_ =	shalt  }
0x3f: {  	_ =	shalt  }
0x40: {  	_ =	shalt  }
0x41: {  	_ =	shalt  }
0x42: {  	_ =	shalt  }
0x43: {  	_ =	shalt  }
0x44: {  	_ =	shalt  }
0x45: {  	_ =	shalt  }
0x46: {  	_ =	shalt  }
0x47: {  	_ =	shalt  }
0x48: {  	_ =	shalt  }
0x49: {  	_ =	shalt  }
0x4a: {  	_ =	shalt  }
0x4b: {  	_ =	shalt  }
0x4c: {  	_ =	shalt  }
0x4d: {  	_ =	shalt  }
0x4e: {  	_ =	shalt  }
0x4f: {  	_ =	shalt  }
0x50: {  	_ =	shalt  }
0x51: {  	_ =	shalt  }
0x52: {  	_ =	shalt  }
0x53: {  	_ =	shalt  }
0x54: {  	_ =	shalt  }
0x55: {  	_ =	shalt  }
0x56: {  	_ =	shalt  }
0x57: {  	_ =	shalt  }
0x58: {  	_ =	shalt  }
0x59: {  	_ =	shalt  }
0x5a: {  	_ =	shalt  }
0x5b: {  	_ =	shalt  }
0x5c: {  	_ =	shalt  }
0x5d: {  	_ =	shalt  }
0x5e: {  	_ =	shalt  }
0x5f: {  	_ =	shalt  }
0x60: {  	_ =	shalt  }
0x61: {  	_ =	shalt  }
0x62: {  	_ =	shalt  }
0x63: {  	_ =	shalt  }
0x64: {  	_ =	shalt  }
0x65: {  	_ =	shalt  }
0x66: {  	_ =	shalt  }
0x67: {  	_ =	shalt  }
0x68: {  	_ =	shalt  }
0x69: {  	_ =	shalt  }
0x6a: {  	_ =	shalt  }
0x6b: {  	_ =	shalt  }
0x6c: {  	_ =	shalt  }
0x6d: {  	_ =	shalt  }
0x6e: {  	_ =	shalt  }
0x6f: {  	_ =	shalt  }
0x70: {  	_ =	shalt  }
0x71: {  	_ =	shalt  }
0x72: {  	_ =	shalt  }
0x73: {  	_ =	shalt  }
0x74: {  	_ =	shalt  }
0x75: {  	_ =	shalt  }
0x76: {  	_ =	shalt  }
0x77: {  	_ =	shalt  }
0x78: {  	_ =	shalt  }
0x79: {  	_ =	shalt  }
0x7a: {  	_ =	shalt  }
0x7b: {  	_ =	shalt  }
0x7c: {  	_ =	shalt  }
0x7d: {  	_ =	shalt  }
0x7e: {  	_ =	shalt  }
0x7f: {  	_ =	shalt  }
0x80: {  	_ =	shalt  }
0x81: {  	_ =	shalt  }
0x82: {  	_ =	shalt  }
0x83: {  	_ =	shalt  }
0x84: {  	_ =	shalt  }
0x85: {  	_ =	shalt  }
0x86: {  	_ =	shalt  }
0x87: {  	_ =	shalt  }
.Lfunc_end0:
.L_simem_size_0:
called_computation.1_lowered:
.L_overlay_start_0:
0x88: {  	s2 =	sld [smem:$0x3FD9]  }
0x89: {  	s3 =	sld [smem:$0x3FFE];
	_ =	sdelay $0x1  }
0x8a: {  	s1 =	srdreg.scid  }
0x8b: {  	s0 =	sand.u32 $0x1, s1  }
0x8c: {  	s17 =	sshll.u32 s0, $0xA;
	s2 =	sadd.s32 s3, s2  }
0x8d: {  	s2 =	sadd.s32 s2, s17  }
0x8e: {  	[smem:$0x3FC3] =	sst s2  }
0x8f: {  	_ = 	snop  }
0x90: {  	s2 =	sld [smem:$0x3FC7]  }
0x91: {  	s18 =	sld [smem:$0x3FD0];
	(tm) =	ssettm $0x1  }
0x92: {  	s4 =	sld [smem:$0x3FFB];
	_ =	sdelay $0x3  }
0x93: {  	_ =	strace s4  }
0x94: {  	s4 =	sld [smem:$0x3FFC];
	_ =	sdelay $0x3  }
0x95: {  	_ =	strace s4  }
0x96: {  	s4 =	sld [smem:$0x3FFD];
	_ =	sdelay $0x3  }
0x97: {  	_ =	strace s4  }
0x98: {  	_ =	strace $0x8FFFFFFF  }
0x99: {  	s19 =	sld [smem:$0x3FDB];
	_ =	sdelay $0x1  }
0x9a: {  	s5 =	simm.s32 $_scs_section_size  }
0x9b: {  	s6 =	simm.s32 $_size__tile_overlayer_lowered;
	s7 =	simm.s32 $_tile_overlayer_lowered  }
0x9c: {  	s22 =	simm.s32 $0x1BFF;
	s21 =	sshll.u32 s7, $0x1;
	s4 =	sadd.s32 s5, s19  }
0x9d: {  	s8 =	simm.s32 $0x0;
	s20 =	sshll.u32 s6, $0x1;
	s6 =	sadd.s32 s21, s4  }
0x9e: {  	[timem:s8], [sflag:s22] =	dma.local [hbm:s6], s20  }
0x9f: {  	_ =	swait.ge [sflag:s22], s20  }
0xa0: {  	s5 =	ssub.s32 $0x0, s20;
	[sflag:s22] =	ssyncset.done $0x0  }
0xa1: {  	[sflag:s22] =	ssyncadd.s32 s5;
	_ =	sdelay $0x1  }
0xa2: {  	s23 =	simm.s32 $0x1B8B  }
0xa3: {  	_ =	swait.ge [sflag:s23], $0x1  }
0xa4: {  	[sflag:s23] =	ssyncset.done $0x0  }
0xa5: {  	s25 =	simm.s32 $0x1B8E;
	s24 =	sld [smem:$0x3FFE];
	[sflag:s23] =	ssyncadd.s32 $0xFFFFFFFF  }
0xa6: {  	s26 =	simm.s32 $execute0_lowered;
	[smem:$0x3FD2] =	sst s25  }
0xa7: {  	s6 =	sshll.u32 s26, $0x1;
	_ =	strace $0x80000049;
	[dreg:$0x1] =	wrdreg $0xFFFFFFFF  }
0xa8: {  	s28 =	simm.s32 $_size_execute0_lowered;
	s4 =	sadd.s32 s4, s6;
	[dreg:$0x0] =	wrdreg $0x0  }
0xa9: {  	s6 =	sshll.u32 s28, $0x1;
	[dreg:$0x2] =	wrdreg s4  }
0xaa: {  	[dreg:$0x3] =	wrdreg s6  }
0xab: {  	[dreg:$0x4] =	wrdreg $0xC0  }
0xac: {  	_ =	task [dreg:s8], $0x5FFFF  }
0xad: {  	[dreg:$0x1] =	wrdreg $0xFFFFFFFF  }
0xae: {  	[dreg:$0x0] =	wrdreg $0x60  }
0xaf: {  	[dreg:$0x2] =	wrdreg s24  }
0xb0: {  	[dreg:$0x3] =	wrdreg s2  }
0xb1: {  	[dreg:$0x4] =	wrdreg s18  }
0xb2: {  	[dreg:$0x5] =	wrdreg $0x13A600  }
0xb3: {  	[dreg:$0x6] =	wrdreg $0x9  }
0xb4: {  	_ =	task.clear_ibuf [dreg:s8], $0x7FFFF;
	_ =	strace $0x90000049  }
0xb5: {  	s29 =	simm.s32 $0x9;
	_ =	strace $0x8000004B  }
0xb6: {  	_ =	swait.ge [sflag:s29], $0x1  }
0xb7: {  	[sflag:s29] =	ssyncadd.s32 $0xFFFFFFFF  }
0xb8: {  	_ =	strace $0x9000004B  }
0xb9: {  	_ =	sfence  }
0xba: {  	s30 =	sld [smem:$0x0];
	_ =	sdelay $0x2  }
0xbb: {  	s31 =	sshll.u32 s1, $0xD;
	s1 =	sshrl.u32 s1, $0x2  }
0xbc: {  	s3 =	sand.u32 $0x4000, s31;
	s1 =	sadd.s32 s1, s30  }
0xbd: {  	s0 =	sor.u32 s3, s0;
	s1 =	sshll.u32 s1, $0x11  }
0xbe: {  	s0 =	sor.u32 s1, s0  }
0xbf: {  	s0 =	sadd.s32 $0x8F2B, s0  }
0xc0: {  	[sflag:s0] =	ssyncadd.remote.s32 $0x1  }
0xc1: {  	_ =	sfence.sel $0xFFFF  }
0xc2: {  	[dreg:$0x0] =	wrdreg $0xFFFFFFFF;
	(pc) =	sbr.abs _section_cstart, $3  }
0xc3: {  	[dreg:$0x1] =	wrdreg $0xFFFFFFFF  }
0xc4: {  	_ =	task.clear_ibuf [dreg:s8], $0x2FFFF;
	_ =	strace $0x9FFFFFFF  }
0xc5: {  	(tm) =	ssettm $0x7FFFFFFF  }
tec
execute0_lowered:
.L_overlay_start_1:
0x0: {  	(tag) =	ssettag $0x1  }
0x1: {  	s4 =	rddreg [dreg:$0x0]  }
0x2: {  	s6 =	rddreg [dreg:$0x1]  }
0x3: {  	s7 =	rddreg [dreg:$0x2]  }
0x4: {  	s1 =	rddreg [dreg:$0x3]  }
0x5: {  	s0 =	rddreg [dreg:$0x4]  }
0x6: {  	s2 =	simm.s32 $0x0;
	s10 =	stileid.u32;
	s3 =	srdreg.scid  }
0x7: {  	s14 =	simm.s32 $0x50;
	s15 =	simm.s32 $0xEA60;
	s16 =	simm.s32 $0xFE60  }
0x8: {  	s17 =	simm.s32 $0xA0;
	s18 =	simm.s32 $0x11260;
	s19 =	simm.s32 $0x1  }
0x9: {  	s20 =	simm.s32 $0x2;
	s21 =	simm.s32 $0x0;
	[smem:$0x7FF] =	sst s2  }
0xa: {  	s8 =	smul.u32 $0x9C4, s10;
	s3 =	sand.u32 $0x1, s3;
	p0 =	sne.s32 s10, $0x0  }
0xb: {  	s10 =	simm.s32 $0x3;
	_ =	strace $0x8000004A;
	s9 =	smul.u32 $0x13880, s3  }
0xc: {  	s5 =	ssub.s32 $0x2, s3;
	s3 =	sadd.s32 $0x14E00, s4;
	s11 =	sadd.s32 s8, s4  }
0xd: {  	s12 =	sshrl.u32 s5, $0x1;
	s6 =	sadd.s32 s6, s8;
	s13 =	sadd.s32 s9, s4  }
0xe: {  	s12 =	ssub.s32 s5, s12;
	s4 =	sadd.s32 $0x1200, s11;
	s5 =	sadd.s32 $0xB000, s11  }
0xf: {  	v0 =	vimm.s32 $0x0;
	vm0 =	vcmask $0x300;
	s7 =	sadd.s32 s7, s9;
	s11 =	simm.s32 $0x4E20;
	s8 =	sadd.s32 $0x28800, s13  }
0x10: {  	v0 =	vsel vm0, $0x3, v0;
	s9 =	smax.u32 s12, $0x1;
	s12 =	simm.s32 $0x9C40;
	s13 =	sshrl.u32 @!p0 s1, $0x3  }
.LBB2_1:
0x11: {  	[tilespmem:s2], [sflag:$0x3] =	stream.linear.gather [hbm4b:s4+s2], $0x4E20, $0x38;
	[tilespmem:$0x1D6A0] =	vst v63  }
0x12: {  	_ =	swait.ge [sflag:s10], $0x4E20  }
0x13: {  	[sflag:s10] =	ssyncset.done $0x0  }
0x14: {  	[sflag:s10] =	ssyncadd.s32 $0xFFFFB1E0  }
0x15: {  	[tilespmem:s11], [sflag:$0x3] =	stream.linear.gather [hbm4b:s5+s2], $0x4E20, $0x38;
	[tilespmem:$0x1D6A0] =	vst v63  }
0x16: {  	_ =	swait.ge [sflag:s10], $0x4E20  }
0x17: {  	[sflag:s10] =	ssyncset.done $0x0  }
0x18: {  	[sflag:s10] =	ssyncadd.s32 $0xFFFFB1E0  }
0x19: {  	[tilespmem:s12], [sflag:$0x3] =	stream.linear.gather [hbm4b:s6+s2], $0x4E20, $0x38;
	[tilespmem:$0x1D6A0] =	vst v63  }
0x1a: {  	_ =	swait.ge [sflag:s10], $0x4E20  }
0x1b: {  	[sflag:s10] =	ssyncset.done $0x0  }
0x1c: {  	s22 =	simm.s32 @!p0 $0x1C03;
	[sflag:s10] =	ssyncadd.s32 $0xFFFFB1E0  }
0x1d: {  	[spmem:s13], [sflag:s22] =	dma.local @!p0 [hbm:s3], $0x13880  }
0x1e: {  	s22 =	simm.s32 @!p0 $0x3  }
0x1f: {  	_ =	swait.ge @!p0 [sflag:s22], $0x13880  }
0x20: {  	[sflag:s22] =	ssyncset.done @!p0 $0x0  }
0x21: {  	[sflag:s22] =	ssyncadd.s32 @!p0 $0xFFFEC780  }
0x22: {  	[bflag:$0x0] =	sbarrier.arrive $0xFFFF  }
0x23: {  	[tilespmem:s15], [sflag:$0x1] =	stream.indirect.gather [hbm4b:s7+s14], $0x40, s2, s14, $0xb8;
	[tilespmem:$0x1D6A0] =	vst v63  }
0x24: {  	_ = 	snop  }
0x25: {  	[tilespmem:s16], [sflag:$0x1] =	stream.indirect.gather [hbm4b:s7+s14], $0x40, s14, s14, $0xb8;
	[tilespmem:$0x1D6A0] =	vst v63  }
0x26: {  	s23 =	simm.s32 $0x0;
	s22 =	simm.s32 $0x0  }
0x27: {  	[tilespmem:s18], [sflag:$0x1] =	stream.indirect.gather [hbm4b:s7+s14], $0x40, s17, s14, $0xb8;
	[tilespmem:$0x1D6A0] =	vst v63  }
.LBB2_2:
0x28: {  	s24 =	simm.s32 $0x0  }
0x29: {  	v1 =	vmov s23;
	v2 =	vmov s24  }
0x2a: {  	v1 =	vmul.u32 $0x50, v1;
	v2 =	vshrl.u32 v2, $0x3  }
0x2b: {  	v2 =	vshll.u32 v2, v0  }
0x2c: {  	v2 =	vadd.s32 v1, v2  }
0x2d: {  	s26 =	sand.u32 $0x3, s22;
	v2 =	vbroadcast v2, $0x0  }
0x2e: {  	s24 =	smul.u32 $0x5000, s26  }
0x2f: {  	_ =	swait.ge [sflag:s19], $0x1400  }
0x30: {  	[sflag:s19] =	ssyncset.done $0x0;
	s24 =	sshrl.u32 s24, $0x2  }
0x31: {  	[sflag:s19] =	ssyncadd.s32 $0xFFFFEC00;
	s24 =	sadd.s32 $0xEB60, s24  }
0x32: {  	v4 =	vld [tilespmem:s24+$0xFFFFFF10]  }
0x33: {  	s25 =	simm.s32 $0x1;
	v3 =	vld.idx.msk [tilespmem:v2+s12+$0x0], $0xffff  }
0x34: {  	v5 =	vld [tilespmem:s24+$0xFFFFFF30];
	v2 =	vmov s25  }
0x35: {  	v7 =	vld [tilespmem:s24+$0xFFFFFF00];
	v6 =	vshrl.u32 v2, $0x3  }
0x36: {  	v8 =	vld [tilespmem:s24+$0xFFFFFF20];
	v2 =	vor.u32 $0x1, v1;
	v6 =	vshll.u32 v6, v0  }
0x37: {  	v6 =	vadd.s32 v6, v2  }
0x38: {  	v6 =	vbroadcast v6, $0x0;
	v4 =	vmul.f32 v4, v3  }
0x39: {  	v5 =	vmul.f32 v5, v3  }
0x3a: {  	v7 =	vmul.f32 v7, v3;
	[tilespmem:s24+$0xFFFFFF10] =	vst v4  }
0x3b: {  	v3 =	vmul.f32 v8, v3;
	[tilespmem:s24+$0xFFFFFF30] =	vst v5  }
0x3c: {  	[tilespmem:s24+$0xFFFFFF00] =	vst v7  }
0x3d: {  	v9 =	vld [tilespmem:s24+$0xFFFFFF50];
	[tilespmem:s24+$0xFFFFFF20] =	vst v3  }
0x3e: {  	s30 =	simm.s32 $0x2;
	v4 =	vld.idx.msk [tilespmem:v6+s12+$0x0], $0xffff  }
0x3f: {  	v3 =	vmov s30;
	v5 =	vld [tilespmem:s24+$0xFFFFFF70]  }
0x40: {  	v7 =	vld [tilespmem:s24+$0xFFFFFF60];
	v6 =	vshrl.u32 v3, $0x3  }
0x41: {  	v8 =	vld [tilespmem:s24+$0xFFFFFF40];
	v3 =	vor.u32 $0x2, v1;
	v6 =	vshll.u32 v6, v0  }
0x42: {  	v6 =	vadd.s32 v6, v3  }
0x43: {  	v6 =	vbroadcast v6, $0x0;
	v9 =	vmul.f32 v9, v4  }
0x44: {  	v5 =	vmul.f32 v5, v4  }
0x45: {  	v7 =	vmul.f32 v7, v4;
	[tilespmem:s24+$0xFFFFFF50] =	vst v9  }
0x46: {  	v4 =	vmul.f32 v8, v4;
	[tilespmem:s24+$0xFFFFFF70] =	vst v5  }
0x47: {  	[tilespmem:s24+$0xFFFFFF60] =	vst v7  }
0x48: {  	v10 =	vld [tilespmem:s24+$0xFFFFFF80];
	[tilespmem:s24+$0xFFFFFF40] =	vst v4  }
0x49: {  	s31 =	simm.s32 $0x3;
	v5 =	vld.idx.msk [tilespmem:v6+s12+$0x0], $0xffff  }
0x4a: {  	v4 =	vmov s31;
	v6 =	vld [tilespmem:s24+$0xFFFFFFB0]  }
0x4b: {  	v11 =	vld [tilespmem:s24+$0xFFFFFF90];
	v7 =	vshrl.u32 v4, $0x3  }
0x4c: {  	v8 =	vld [tilespmem:s24+$0xFFFFFFA0];
	v4 =	vor.u32 $0x3, v1;
	v7 =	vshll.u32 v7, v0  }
0x4d: {  	v7 =	vadd.s32 v7, v4  }
0x4e: {  	v7 =	vbroadcast v7, $0x0;
	v9 =	vmul.f32 v10, v5  }
0x4f: {  	v6 =	vmul.f32 v6, v5  }
0x50: {  	v10 =	vmul.f32 v11, v5;
	[tilespmem:s24+$0xFFFFFF80] =	vst v9  }
0x51: {  	v5 =	vmul.f32 v8, v5;
	[tilespmem:s24+$0xFFFFFFB0] =	vst v6  }
0x52: {  	[tilespmem:s24+$0xFFFFFF90] =	vst v10  }
0x53: {  	v9 =	vld [tilespmem:s24+$0xFFFFFFF0];
	[tilespmem:s24+$0xFFFFFFA0] =	vst v5  }
0x54: {  	s26 =	simm.s32 $0x4;
	v5 =	vld.idx.msk [tilespmem:v7+s12+$0x0], $0xffff  }
0x55: {  	v6 =	vmov s26;
	v7 =	vld [tilespmem:s24+$0xFFFFFFE0]  }
0x56: {  	v8 =	vld [tilespmem:s24+$0xFFFFFFD0];
	v10 =	vshrl.u32 v6, $0x3  }
0x57: {  	v11 =	vld [tilespmem:s24+$0xFFFFFFC0];
	v6 =	vor.u32 $0x4, v1;
	v10 =	vshll.u32 v10, v0  }
0x58: {  	v10 =	vadd.s32 v10, v6  }
0x59: {  	v13 =	vbroadcast v10, $0x0;
	v9 =	vmul.f32 v9, v5  }
0x5a: {  	v7 =	vmul.f32 v7, v5  }
0x5b: {  	v8 =	vmul.f32 v8, v5;
	[tilespmem:s24+$0xFFFFFFF0] =	vst v9  }
0x5c: {  	v12 =	vld [tilespmem:s24+$0x20];
	s30 =	simm.s32 $0x5;
	v5 =	vmul.f32 v11, v5;
	[tilespmem:s24+$0xFFFFFFE0] =	vst v7  }
0x5d: {  	v14 =	vld [tilespmem:s24+$0x10];
	s26 =	sand.u32 $0x3, s23;
	v7 =	vmov s30;
	[tilespmem:s24+$0xFFFFFFD0] =	vst v8  }
0x5e: {  	s31 =	smul.u32 $0x5000, s26;
	v10 =	vld [tilespmem:s24+$0x0];
	[tilespmem:s24+$0xFFFFFFC0] =	vst v5;
	v7 =	vshrl.u32 v7, $0x3  }
0x5f: {  	v8 =	vor.u32 $0x5, v1;
	v5 =	vshll.u32 v7, v0;
	v13 =	vld.idx.msk [tilespmem:v13+s12+$0x0], $0xffff  }
0x60: {  	s28 =	simm.s32 $0x7;
	s25 =	sshrl.u32 s31, $0x2;
	v9 =	vld [tilespmem:s24+$0x30];
	v11 =	vadd.s32 v5, v8  }
0x61: {  	s29 =	simm.s32 $0xF;
	s26 =	smov.u32 s24;
	s25 =	sadd.s32 $0xEA60, s25;
	v7 =	vor.u32 $0x6, v1;
	v5 =	vor.u32 $0x7, v1;
	v11 =	vbroadcast v11, $0x0  }
.LBB2_3:
0x62: {  	p1 =	sne.s32 s29, $0x4F  }
0x63: {  	s24 =	sadd.s32 $0x200, s24;
	s30 =	smov.u32 s29;
	s29 =	sadd.s32 $0x8, s29  }
0x64: {  	v12 =	vmul.f32 v12, v13;
	v14 =	vmul.f32 v14, v13  }
0x65: {  	v10 =	vmul.f32 v10, v13;
	v9 =	vmul.f32 v9, v13;
	v13 =	vld [tilespmem:s26+$0x70]  }
0x66: {  	[tilespmem:s26+$0x10] =	vst v14;
	v14 =	vld [tilespmem:s26+$0x40]  }
0x67: {  	[tilespmem:s26+$0x0] =	vst v10  }
0x68: {  	[tilespmem:s26+$0x20] =	vst v12  }
0x69: {  	[tilespmem:s26+$0x30] =	vst v9;
	v9 =	vld [tilespmem:s26+$0x60]  }
0x6a: {  	v10 =	vld.idx.msk [tilespmem:v11+s12+$0x0], $0xffff  }
0x6b: {  	v11 =	vld [tilespmem:s26+$0x50]  }
0x6c: {  	s31 =	sadd.s32 $0xFFFFFFFF, s28  }
0x6d: {  	v12 =	vmov s31  }
0x6e: {  	v12 =	vshrl.u32 v12, $0x3  }
0x6f: {  	v12 =	vshll.u32 v12, v0  }
0x70: {  	v12 =	vadd.s32 v12, v7;
	v9 =	vmul.f32 v9, v10;
	v11 =	vmul.f32 v11, v10  }
0x71: {  	v12 =	vbroadcast v12, $0x0;
	v14 =	vmul.f32 v14, v10  }
0x72: {  	[tilespmem:s26+$0x60] =	vst v9;
	v9 =	vmul.f32 v13, v10  }
0x73: {  	[tilespmem:s26+$0x50] =	vst v11;
	v10 =	vld [tilespmem:s26+$0xB0]  }
0x74: {  	[tilespmem:s26+$0x40] =	vst v14  }
0x75: {  	s31 =	sadd.s32 $0xFFFFFFF9, s30  }
0x76: {  	v11 =	vmov s31;
	[tilespmem:s26+$0x70] =	vst v9;
	v9 =	vld [tilespmem:s26+$0x90]  }
0x77: {  	v11 =	vshrl.u32 v11, $0x3;
	v12 =	vld.idx.msk [tilespmem:v12+s12+$0x0], $0xffff  }
0x78: {  	v11 =	vshll.u32 v11, v0;
	v13 =	vld [tilespmem:s26+$0xA0]  }
0x79: {  	v11 =	vadd.s32 v1, v11;
	v14 =	vld [tilespmem:s26+$0x80]  }
0x7a: {  	v15 =	vmov s28;
	s28 =	smov.u32 s30;
	v11 =	vbroadcast v11, $0x0  }
0x7b: {  	v15 =	vshrl.u32 v15, $0x3  }
0x7c: {  	v15 =	vshll.u32 v15, v0  }
0x7d: {  	v15 =	vadd.s32 v15, v5;
	v10 =	vmul.f32 v10, v12;
	v13 =	vmul.f32 v13, v12  }
0x7e: {  	v15 =	vbroadcast v15, $0x0;
	v14 =	vmul.f32 v14, v12;
	v16 =	vld [tilespmem:s26+$0xD0]  }
0x7f: {  	v9 =	vmul.f32 v9, v12;
	v17 =	vld [tilespmem:s24+$0xFFFFFF30];
	[tilespmem:s26+$0xA0] =	vst v13  }
0x80: {  	[tilespmem:s26+$0x80] =	vst v14  }
0x81: {  	s30 =	sadd.s32 $0xFFFFFFFA, s28;
	[tilespmem:s26+$0x90] =	vst v9;
	v9 =	vld [tilespmem:s26+$0xC0]  }
0x82: {  	v12 =	vmov s30;
	[tilespmem:s26+$0xB0] =	vst v10  }
0x83: {  	v10 =	vshrl.u32 v12, $0x3;
	v12 =	vld [tilespmem:s26+$0xF0]  }
0x84: {  	v10 =	vshll.u32 v10, v0;
	v13 =	vld.idx.msk [tilespmem:v15+s12+$0x0], $0xffff  }
0x85: {  	v10 =	vadd.s32 v10, v2  }
0x86: {  	v10 =	vbroadcast v10, $0x0;
	v14 =	vld [tilespmem:s26+$0xE0];
	_ =	sdelay $0x3  }
0x87: {  	v9 =	vmul.f32 v9, v13;
	v15 =	vmul.f32 v16, v13  }
0x88: {  	v12 =	vmul.f32 v12, v13;
	v14 =	vmul.f32 v14, v13  }
0x89: {  	v13 =	vld [tilespmem:s24+$0xFFFFFF20];
	[tilespmem:s26+$0xC0] =	vst v9  }
0x8a: {  	[tilespmem:s26+$0xE0] =	vst v14  }
0x8b: {  	[tilespmem:s26+$0xF0] =	vst v12  }
0x8c: {  	[tilespmem:s26+$0xD0] =	vst v15;
	s26 =	smov.u32 s24  }
0x8d: {  	v9 =	vld.idx.msk [tilespmem:v11+s12+$0x0], $0xffff  }
0x8e: {  	v11 =	vld [tilespmem:s24+$0xFFFFFF10]  }
0x8f: {  	v12 =	vld [tilespmem:s24+$0xFFFFFF00];
	_ =	sdelay $0x1  }
0x90: {  	v14 =	vld [tilespmem:s24+$0xFFFFFF50];
	_ =	sdelay $0x1  }
0x91: {  	s30 =	sadd.s32 $0xFFFFFFFB, s28;
	v13 =	vmul.f32 v13, v9;
	v11 =	vmul.f32 v11, v9  }
0x92: {  	v15 =	vmov s30;
	v12 =	vmul.f32 v12, v9;
	v9 =	vmul.f32 v17, v9  }
0x93: {  	v15 =	vshrl.u32 v15, $0x3;
	[tilespmem:s24+$0xFFFFFF10] =	vst v11;
	v11 =	vld [tilespmem:s24+$0xFFFFFF70]  }
0x94: {  	[tilespmem:s24+$0xFFFFFF30] =	vst v9;
	v9 =	vshll.u32 v15, v0  }
0x95: {  	[tilespmem:s24+$0xFFFFFF00] =	vst v12;
	v9 =	vadd.s32 v9, v3  }
0x96: {  	[tilespmem:s24+$0xFFFFFF20] =	vst v13  }
0x97: {  	v9 =	vbroadcast v9, $0x0;
	v10 =	vld.idx.msk [tilespmem:v10+s12+$0x0], $0xffff  }
0x98: {  	v12 =	vld [tilespmem:s24+$0xFFFFFF40]  }
0x99: {  	v13 =	vld [tilespmem:s24+$0xFFFFFF60];
	_ =	sdelay $0x2  }
0x9a: {  	v15 =	vld [tilespmem:s24+$0xFFFFFF90]  }
0x9b: {  	v14 =	vmul.f32 v14, v10;
	v12 =	vmul.f32 v12, v10  }
0x9c: {  	s30 =	sadd.s32 $0xFFFFFFFC, s28;
	v13 =	vmul.f32 v13, v10;
	v10 =	vmul.f32 v11, v10;
	v11 =	vld [tilespmem:s24+$0xFFFFFF80]  }
0x9d: {  	[tilespmem:s24+$0xFFFFFF50] =	vst v14;
	v14 =	vmov s30  }
0x9e: {  	[tilespmem:s24+$0xFFFFFF70] =	vst v10;
	v10 =	vshrl.u32 v14, $0x3  }
0x9f: {  	[tilespmem:s24+$0xFFFFFF60] =	vst v13;
	v10 =	vshll.u32 v10, v0  }
0xa0: {  	[tilespmem:s24+$0xFFFFFF40] =	vst v12;
	v12 =	vld [tilespmem:s24+$0xFFFFFFA0];
	v10 =	vadd.s32 v10, v4  }
0xa1: {  	v9 =	vld.idx.msk [tilespmem:v9+s12+$0x0], $0xffff  }
0xa2: {  	v13 =	vld [tilespmem:s24+$0xFFFFFFB0]  }
0xa3: {  	v10 =	vbroadcast v10, $0x0;
	_ =	sdelay $0x3  }
0xa4: {  	v11 =	vmul.f32 v11, v9;
	v13 =	vmul.f32 v13, v9  }
0xa5: {  	v14 =	vmul.f32 v15, v9;
	v9 =	vmul.f32 v12, v9  }
0xa6: {  	[tilespmem:s24+$0xFFFFFF80] =	vst v11;
	v11 =	vld [tilespmem:s24+$0xFFFFFFF0]  }
0xa7: {  	[tilespmem:s24+$0xFFFFFFB0] =	vst v13;
	v12 =	vld [tilespmem:s24+$0xFFFFFFD0]  }
0xa8: {  	[tilespmem:s24+$0xFFFFFF90] =	vst v14  }
0xa9: {  	[tilespmem:s24+$0xFFFFFFA0] =	vst v9;
	v9 =	vld [tilespmem:s24+$0xFFFFFFC0]  }
0xaa: {  	s30 =	sadd.s32 $0xFFFFFFFD, s28;
	v13 =	vld [tilespmem:s24+$0xFFFFFFE0]  }
0xab: {  	v14 =	vmov s30;
	v10 =	vld.idx.msk [tilespmem:v10+s12+$0x0], $0xffff  }
0xac: {  	v14 =	vshrl.u32 v14, $0x3  }
0xad: {  	v14 =	vshll.u32 v14, v0  }
0xae: {  	v14 =	vadd.s32 v14, v6  }
0xaf: {  	v14 =	vbroadcast v14, $0x0;
	_ =	sdelay $0x1  }
0xb0: {  	v15 =	vmul.f32 v9, v10;
	v9 =	vmul.f32 v11, v10  }
0xb1: {  	v11 =	vmul.f32 v12, v10;
	v10 =	vmul.f32 v13, v10  }
0xb2: {  	[tilespmem:s24+$0xFFFFFFF0] =	vst v9;
	v9 =	vld [tilespmem:s24+$0x30]  }
0xb3: {  	[tilespmem:s24+$0xFFFFFFE0] =	vst v10;
	v10 =	vld [tilespmem:s24+$0x0]  }
0xb4: {  	[tilespmem:s24+$0xFFFFFFD0] =	vst v11  }
0xb5: {  	s30 =	sadd.s32 $0xFFFFFFFE, s28;
	[tilespmem:s24+$0xFFFFFFC0] =	vst v15  }
0xb6: {  	v11 =	vmov s30;
	v12 =	vld [tilespmem:s24+$0x20]  }
.Ltmp0:
0xb7: {  	v11 =	vshrl.u32 v11, $0x3;
	v13 =	vld.idx.msk [tilespmem:v14+s12+$0x0], $0xffff;
	(pc) =	sbr.rel @p1 .LBB2_3-.Ltmp0, $3  }
0xb8: {  	v11 =	vshll.u32 v11, v0;
	v14 =	vld [tilespmem:s24+$0x10]  }
0xb9: {  	v11 =	vadd.s32 v11, v8;
	_ =	sdelay $0x1  }
0xba: {  	v11 =	vbroadcast v11, $0x0  }
0xbb: {  	v2 =	vmul.f32 v10, v13  }
0xbc: {  	v1 =	vmul.f32 v14, v13  }
0xbd: {  	v3 =	vmul.f32 v12, v13;
	[tilespmem:s26+$0x0] =	vst v2  }
0xbe: {  	[tilespmem:s26+$0x10] =	vst v1;
	v1 =	vmul.f32 v9, v13  }
0xbf: {  	[tilespmem:s26+$0x20] =	vst v3  }
0xc0: {  	[tilespmem:s26+$0x30] =	vst v1;
	v1 =	vld [tilespmem:s26+$0x60]  }
0xc1: {  	s24 =	sadd.s32 $0xFFFFFFFF, s28;
	v2 =	vld.idx.msk [tilespmem:v11+s12+$0x0], $0xffff  }
0xc2: {  	v6 =	vmov s24;
	v3 =	vld [tilespmem:s26+$0x50]  }
0xc3: {  	v4 =	vld [tilespmem:s26+$0x40];
	v6 =	vshrl.u32 v6, $0x3  }
0xc4: {  	v8 =	vld [tilespmem:s26+$0x70];
	v6 =	vshll.u32 v6, v0  }
0xc5: {  	v6 =	vadd.s32 v6, v7  }
0xc6: {  	v6 =	vbroadcast v6, $0x0;
	v1 =	vmul.f32 v1, v2  }
0xc7: {  	v3 =	vmul.f32 v3, v2  }
0xc8: {  	v4 =	vmul.f32 v4, v2;
	[tilespmem:s26+$0x60] =	vst v1  }
0xc9: {  	v1 =	vmul.f32 v8, v2;
	[tilespmem:s26+$0x50] =	vst v3  }
0xca: {  	[tilespmem:s26+$0x40] =	vst v4  }
0xcb: {  	v2 =	vld [tilespmem:s26+$0xA0];
	[tilespmem:s26+$0x70] =	vst v1  }
0xcc: {  	v1 =	vld.idx.msk [tilespmem:v6+s12+$0x0], $0xffff  }
0xcd: {  	v60 =	vmov s28;
	v3 =	vld [tilespmem:s26+$0x80]  }
0xce: {  	v59 =	vld [tilespmem:s26+$0x90];
	v6 =	vshrl.u32 v60, $0x3  }
0xcf: {  	v61 =	vld [tilespmem:s26+$0xB0];
	v6 =	vshll.u32 v6, v0  }
0xd0: {  	v5 =	vadd.s32 v6, v5  }
0xd1: {  	v5 =	vbroadcast v5, $0x0;
	v2 =	vmul.f32 v2, v1  }
0xd2: {  	v3 =	vmul.f32 v3, v1  }
0xd3: {  	v4 =	vmul.f32 v59, v1;
	[tilespmem:s26+$0xA0] =	vst v2  }
0xd4: {  	v1 =	vmul.f32 v61, v1;
	[tilespmem:s26+$0x80] =	vst v3  }
0xd5: {  	[tilespmem:s26+$0x90] =	vst v4  }
0xd6: {  	v2 =	vld [tilespmem:s26+$0xC0];
	[tilespmem:s26+$0xB0] =	vst v1  }
0xd7: {  	v1 =	vld.idx.msk [tilespmem:v5+s12+$0x0], $0xffff  }
0xd8: {  	v3 =	vld [tilespmem:s26+$0xE0]  }
0xd9: {  	v63 =	vld [tilespmem:s26+$0xF0]  }
0xda: {  	v62 =	vld [tilespmem:s26+$0xD0];
	_ =	sdelay $0x1  }
0xdb: {  	v2 =	vmul.f32 v2, v1  }
0xdc: {  	v3 =	vmul.f32 v3, v1  }
0xdd: {  	s31 =	smul.u32 $0x140, s23;
	v4 =	vmul.f32 v63, v1;
	[tilespmem:s26+$0xC0] =	vst v2  }
0xde: {  	v1 =	vmul.f32 v62, v1;
	[tilespmem:s26+$0xE0] =	vst v3  }
0xdf: {  	s24 =	sshra.s32 s31, $0x2;
	[tilespmem:s26+$0xF0] =	vst v4  }
0xe0: {  	p1 =	seq.s32 s23, $0x0;
	s24 =	sadd.s32 $0x4E20, s24;
	[tilespmem:s26+$0xD0] =	vst v1  }
0xe1: {  	[spmem:s1] =	stream.indirect.scatter.add.f32 [tilespmem:s25], [sflag:$0x2], $0x40, s24, s14, $0xb8;
	[tilespmem:$0x1D6A0] =	vst v63  }
0xe2: {  	s24 =	simm.s32 @!p1 $0x2  }
0xe3: {  	p2 =	sgt.u32 @!p1 s23, $0xF6;
	_ =	swait.ge @!p1 [sflag:s24], $0x1400  }
0xe4: {  	p2 =	por p1, !p2;
	[sflag:s24] =	ssyncset.done @!p1 $0x0  }
0xe5: {  	[sflag:s24] =	ssyncadd.s32 @!p1 $0xFFFFEC00;
	s24 =	sadd.s32 @p2 $0x3, s23  }
0xe6: {  	s23 =	sadd.s32 $0x1, s23;
	s25 =	sand.u32 @p2 $0x3, s24  }
0xe7: {  	p1 =	sne.s32 s23, $0xFA;
	s25 =	smul.u32 @p2 $0x5000, s25  }
.Ltmp1:
0xe8: {  	_ = 	snop;
	(pc) =	sbr.rel @p1 .LBB2_2-.Ltmp1, $4  }
0xe9: {  	s24 =	smul.u32 @p2 $0x140, s24  }
0xea: {  	s25 =	sshrl.u32 @p2 s25, $0x2  }
0xeb: {  	s22 =	sadd.s32 $0x1, s22;
	s24 =	sshra.s32 @p2 s24, $0x2;
	s25 =	sadd.s32 @p2 $0xEA60, s25  }
0xec: {  	[tilespmem:s25], [sflag:$0x1] =	stream.indirect.gather @p2 [hbm4b:s7+s14], $0x40, s24, s14, $0xb8;
	[tilespmem:$0x1D6A0] =	vst v63  }
0xed: {  	_ =	swait.ge [sflag:s20], $0x1400  }
0xee: {  	[sflag:s20] =	ssyncset.done $0x0  }
0xef: {  	s21 =	sadd.s32 $0x1, s21;
	[sflag:s20] =	ssyncadd.s32 $0xFFFFEC00  }
0xf0: {  	s22 =	simm.s32 @!p0 $0x1C03;
	p1 =	sne.s32 s21, s9;
	[bflag:$0x0] =	sbarrier.arrive $0xFFFF  }
0xf1: {  	[hbm:s8], [sflag:s22] =	dma.local @!p0 [spmem:s13], $0x13880  }
.Ltmp2:
0xf2: {  	_ = 	snop;
	(pc) =	sbr.rel @p1 .LBB2_1-.Ltmp2, $4  }
0xf3: {  	s22 =	simm.s32 @!p0 $0x3  }
0xf4: {  	_ =	swait.ge @!p0 [sflag:s22], $0x13880  }
0xf5: {  	[sflag:s22] =	ssyncset.done @!p0 $0x0  }
0xf6: {  	[sflag:s22] =	ssyncadd.s32 @!p0 $0xFFFEC780  }
0xf7: {  	_ =	sfence.sel $0x180000  }
0xf8: {  	[bflag:$0x0] =	sbarrier.arrive $0xFFFF  }
0xf9: {  	_ =	strace $0x9000004A  }
0xfa: {  	s0 =	sadd.s32 @!p0 $0x100000, s0;
	[bflag:$0x2] =	sbarrier.arrive $0xFFFF  }
0xfb: {  	[sflag:s0] =	ssyncadd.tile.s32 @!p0 $0x1;
	_ =	shalt  }
.Lfunc_end2:
_tile_overlayer_lowered:
.L_overlay_start_2:
0xfc: {  	(tag) =	ssettag $0x2  }
0xfd: {  	s0 =	rddreg [dreg:$0x0];
	s2 =	stileid.u32  }
0xfe: {  	s1 =	rddreg [dreg:$0x1];
	p0 =	sne.s32 s2, $0x0  }
0xff: {  	s3 =	rddreg [dreg:$0x2];
	[bflag:$0x3] =	sbarrier.arrive $0xFFFF;
	s2 =	simm.s32 @!p0 $0x1C03  }
0x100: {  	[timem:s3], [sflag:s2] =	dma.local @!p0 [hbm:s0], s1  }
0x101: {  	s0 =	simm.s32 @!p0 $0x3  }
0x102: {  	_ =	swait.ge @!p0 [sflag:s0], s1  }
0x103: {  	s1 =	ssub.s32 @!p0 $0x0, s1;
	[sflag:s0] =	ssyncset.done @!p0 $0x0  }
0x104: {  	[sflag:s0] =	ssyncadd.s32 @!p0 s1  }
0x105: {  	[bflag:$0x3] =	sbarrier.arrive $0xFFFF  }
0x106: {  	_ =	shalt  }

</sc_bundles>
